<compile_context>
chip_gen: v7x
topology: tpu7x:2x2x1
jax: 0.10.2.dev20260603
libtpu: 0.0.44.dev20260713+nightly
codegen_flags: <defaults>
</compile_context>

<pallas_src>
import functools

import jax
import jax.numpy as jnp
from jax import lax
from jax.experimental import pallas as pl
from jax.experimental.pallas import tpu as pltpu
from jax.experimental.pallas import tpu_sc as plsc

_TOKEN_BLOCK = 4096
_SKIP_THRESHOLD = 0.1
_NUM_WORKERS = 32
_E = 64


def _logits_block(x_ref, w_ref, lout_ref):
    xb = x_ref[...]
    wg = w_ref[...]
    lout_ref[...] = jax.lax.dot_general(
        wg, xb, (((1,), (1,)), ((), ())),
        preferred_element_type=jnp.float32,
    )


def _tc_logits(x, W_gate):
    T, H = x.shape
    E = W_gate.shape[0]
    TB = _TOKEN_BLOCK
    return pl.pallas_call(
        _logits_block,
        grid=(T // TB,),
        in_specs=[
            pl.BlockSpec((TB, H), lambda i: (i, 0)),
            pl.BlockSpec((E, H), lambda i: (0, 0)),
        ],
        out_specs=pl.BlockSpec((E, TB), lambda i: (0, i)),
        out_shape=jax.ShapeDtypeStruct((E, T), jnp.float32),
    )(x, W_gate)


def _make_sc_routing(T):
    TPW = T // _NUM_WORKERS
    NG = TPW // 16
    mesh = plsc.VectorSubcoreMesh(core_axis_name="c", subcore_axis_name="s")

    @functools.partial(
        pl.kernel,
        mesh=mesh,
        out_type=[
            jax.ShapeDtypeStruct((2, T), jnp.float32),
            jax.ShapeDtypeStruct((2, T), jnp.int32),
            jax.ShapeDtypeStruct((1, T), jnp.float32),
        ],
        scratch_types=[
            pltpu.VMEM((_E, TPW), jnp.float32),
            pltpu.VMEM((2, TPW), jnp.float32),
            pltpu.VMEM((2, TPW), jnp.int32),
            pltpu.VMEM((1, TPW), jnp.float32),
        ],
    )
    def sc_routing(lg_hbm, wout_hbm, iout_hbm, mout_hbm, lg_v, w_v, i_v, m_v):
        wid = lax.axis_index("s") * 2 + lax.axis_index("c")
        base = wid * TPW
        pltpu.sync_copy(lg_hbm.at[:, pl.ds(base, TPW)], lg_v)

        def group(g, carry):
            off = g * 16
            m1 = lg_v[0, pl.ds(off, 16)]
            i1 = jnp.zeros((16,), jnp.int32)
            m2 = jnp.full((16,), -jnp.inf, jnp.float32)
            i2 = jnp.full((16,), _E, jnp.int32)
            for e in range(1, _E):
                v = lg_v[e, pl.ds(off, 16)]
                ev = jnp.full((16,), e, jnp.int32)
                gt1 = v > m1
                gt2 = v > m2
                i2 = jnp.where(gt1, i1, jnp.where(gt2, ev, i2))
                m2 = jnp.where(gt1, m1, jnp.where(gt2, v, m2))
                i1 = jnp.where(gt1, ev, i1)
                m1 = jnp.where(gt1, v, m1)
            s = jnp.zeros((16,), jnp.float32)
            for e in range(_E):
                v = lg_v[e, pl.ds(off, 16)]
                s = s + jnp.exp(v - m1)
            e2 = jnp.exp(m2 - m1)
            p1 = 1.0 / s
            denom = 1.0 + e2
            w1 = 1.0 / denom
            w2 = e2 / denom
            skip = p1 < _SKIP_THRESHOLD
            w1 = jnp.where(skip, 0.0, w1)
            w2 = jnp.where(skip, 0.0, w2)
            w_v[0, pl.ds(off, 16)] = w1
            w_v[1, pl.ds(off, 16)] = w2
            i_v[0, pl.ds(off, 16)] = i1
            i_v[1, pl.ds(off, 16)] = i2
            m_v[0, pl.ds(off, 16)] = jnp.where(skip, 1.0, 0.0)
            return carry

        lax.fori_loop(0, NG, group, 0, unroll=False)

        pltpu.sync_copy(w_v, wout_hbm.at[:, pl.ds(base, TPW)])
        pltpu.sync_copy(i_v, iout_hbm.at[:, pl.ds(base, TPW)])
        pltpu.sync_copy(m_v, mout_hbm.at[:, pl.ds(base, TPW)])

    return sc_routing


@jax.jit
def kernel(x, W_gate):
    T, H = x.shape
    logits_t = _tc_logits(x, W_gate)
    weights_t, idx_t, mask_t = _make_sc_routing(T)(logits_t)
    return weights_t.T, idx_t.T, (mask_t.reshape(T) > 0.5)

# --- scband reference (transcript-rebuilt; emitter-appended) ---
"""Pipeline reference for scband-skip-router-45346264711638 (READ-ONLY COPY).

The authoritative reference and input builder live on the scoring server;
editing this copy changes nothing except your own understanding.
"""

import jax, jax.numpy as jnp
import numpy as np

HIDDEN_SIZE = 768
NUM_EXPERTS = 64
TOP_K = 2
SKIP_THRESHOLD = 0.1
SKIP_ENABLED = True
NUM_TOKENS = 32768


def setup_inputs(seed: int = 0) -> dict:
    key = jax.random.key(seed)
    k_x, k_w = jax.random.split(key)
    x = jax.random.normal(k_x, (NUM_TOKENS, HIDDEN_SIZE), dtype=jnp.float32)
    # gate: nn.Linear(hidden_size, num_experts, bias=False) -> weight [num_experts, hidden_size]
    W_gate = jax.random.normal(k_w, (NUM_EXPERTS, HIDDEN_SIZE), dtype=jnp.float32) * 0.02
    return {"x": x, "W_gate": W_gate}


def reference(x, W_gate):
    # router logits: [T, E]
    logits = jnp.dot(x, W_gate.T)
    probs = jax.nn.softmax(logits.astype(jnp.float32), axis=-1)
    # top-k expert selection per token
    topk_probs, topk_idx = jax.lax.top_k(probs, TOP_K)
    # renormalize selected weights
    weights = topk_probs / jnp.sum(topk_probs, axis=-1, keepdims=True)
    # skip tokens whose max routing prob falls below threshold
    skip_mask = topk_probs[:, 0] < SKIP_THRESHOLD
    if SKIP_ENABLED:
        weights = jnp.where(skip_mask[:, None], jnp.zeros_like(weights), weights)
    return weights, topk_idx, skip_mask

if __name__ == "__main__":
    import jax
    _d = setup_inputs()
    print(jax.jit(kernel)(*tuple(_d.values())))

</pallas_src>

<mosaic_0001>
#map = affine_map<(d0, d1) -> (0, 0)>
module attributes {stable_mosaic.version = 14 : i64} {
  func.func @sc_routing(%arg0: i32, %arg1: i32, %arg2: memref<64x32768xf32, #tpu.memory_space<hbm>>, %arg3: memref<2x32768xf32, #tpu.memory_space<hbm>>, %arg4: memref<2x32768xi32, #tpu.memory_space<hbm>>, %arg5: memref<1x32768xf32, #tpu.memory_space<hbm>>, %arg6: memref<64x1024xf32, #tpu.memory_space<vmem>>, %arg7: memref<2x1024xf32, #tpu.memory_space<vmem>>, %arg8: memref<2x1024xi32, #tpu.memory_space<vmem>>, %arg9: memref<1x1024xf32, #tpu.memory_space<vmem>>) attributes {dimension_semantics = [#tpu.dimension_semantics<core_parallel>, #tpu.dimension_semantics<subcore_parallel>], iteration_bounds = array<i64: 2, 16>, scalar_prefetch = 0 : i64, scratch_operands = 4 : i64, tpu.core_type = #tpu.core_type<sc_vector_subcore>, window_params = [{transform_indices = #map}, {transform_indices = #map}, {transform_indices = #map}, {transform_indices = #map}]} {
    %mul3A = arith.constant 2 : i32
    %mul3A_0 = arith.muli %arg1, %mul3A : i32
    %add3A = arith.addi %mul3A_0, %arg0 : i32
    %mul3A_1 = arith.constant 1024 : i32
    %mul3A_2 = arith.muli %add3A, %mul3A_1 : i32
    "tpu.region"() ({
      %run_scoped3A = tpu.sem_alloc : memref<!tpu.dma_semaphore, #tpu.memory_space<semaphore_mem>>
      %dma_start3A = arith.constant 0 : i32
      %dma_start3A_8 = tpu.memref_slice %arg2[%dma_start3A, %mul3A_2] : memref<64x32768xf32, #tpu.memory_space<hbm>> -> memref<64x1024xf32, #tpu.memory_space<hbm>>
      %dma_start3A_9 = arith.constant 0 : i32
      %dma_start3A_10 = tpu.memref_slice %arg2[%dma_start3A_9, %mul3A_2] : memref<64x32768xf32, #tpu.memory_space<hbm>> -> memref<64x1024xf32, #tpu.memory_space<hbm>>
      tpu.enqueue_dma source(%dma_start3A_10 : memref<64x1024xf32, #tpu.memory_space<hbm>>) target(%arg6 : memref<64x1024xf32, #tpu.memory_space<vmem>>) target_semaphore(%run_scoped3A : memref<!tpu.dma_semaphore, #tpu.memory_space<semaphore_mem>>)
      %dma_wait3A = arith.constant 0 : i32
      %dma_wait3A_11 = tpu.memref_slice %arg2[%dma_wait3A, %mul3A_2] : memref<64x32768xf32, #tpu.memory_space<hbm>> -> memref<64x1024xf32, #tpu.memory_space<hbm>>
      %dma_wait3A_12 = arith.constant 0 : i32
      %dma_wait3A_13 = tpu.memref_slice %arg2[%dma_wait3A_12, %mul3A_2] : memref<64x32768xf32, #tpu.memory_space<hbm>> -> memref<64x1024xf32, #tpu.memory_space<hbm>>
      tpu.wait_dma2 semaphore(%run_scoped3A : memref<!tpu.dma_semaphore, #tpu.memory_space<semaphore_mem>>) src(%dma_wait3A_13 : memref<64x1024xf32, #tpu.memory_space<hbm>>) dst(%arg6 : memref<64x1024xf32, #tpu.memory_space<vmem>>)
      tpu.yield
    }) : () -> ()
    %scan3A = arith.constant 0 : i32
    %scan3A_3 = arith.constant 0 : i32
    %scan3A_4 = arith.constant 64 : i32
    %scan3A_5 = arith.addi %scan3A_3, %scan3A_4 : i32
    %scan3A_6 = arith.constant 1 : i32
    scf.for %scan3A_8 = %scan3A_3 to %scan3A_5 step %scan3A_6  : i32 {
      %mul3A_9 = arith.constant 16 : i32
      %mul3A_10 = arith.muli %scan3A_8, %mul3A_9 : i32
      %get3A = arith.constant 0 : i32
      %get3A_11 = arith.index_cast %get3A : i32 to index
      %get3A_12 = arith.index_cast %mul3A_10 : i32 to index
      %get3A_13 = tpu.vector_load %arg6[%get3A_11, %get3A_12] {strides = array<i32>} : memref<64x1024xf32, #tpu.memory_space<vmem>>, vector<1x16xf32>,
      %get3A_14 = vector.shape_cast %get3A_13 : vector<1x16xf32> to vector<16xf32>
      %broadcast_in_dim3A = arith.constant 0 : i32
      %broadcast_in_dim3A_15 = vector.broadcast %broadcast_in_dim3A : i32 to vector<16xi32>
      %broadcast_in_dim3A_16 = arith.constant 0xFF800000 : f32
      %broadcast_in_dim3A_17 = vector.broadcast %broadcast_in_dim3A_16 : f32 to vector<16xf32>
      %broadcast_in_dim3A_18 = arith.constant 64 : i32
      %broadcast_in_dim3A_19 = vector.broadcast %broadcast_in_dim3A_18 : i32 to vector<16xi32>
      %get3A_20 = arith.constant 1 : i32
      %get3A_21 = arith.index_cast %get3A_20 : i32 to index
      %get3A_22 = arith.index_cast %mul3A_10 : i32 to index
      %get3A_23 = tpu.vector_load %arg6[%get3A_21, %get3A_22] {strides = array<i32>} : memref<64x1024xf32, #tpu.memory_space<vmem>>, vector<1x16xf32>,
      %get3A_24 = vector.shape_cast %get3A_23 : vector<1x16xf32> to vector<16xf32>
      %broadcast_in_dim3A_25 = arith.constant 1 : i32
      %broadcast_in_dim3A_26 = vector.broadcast %broadcast_in_dim3A_25 : i32 to vector<16xi32>
      %gt3A = arith.cmpf ogt, %get3A_24, %get3A_14 : vector<16xf32>
      %gt3A_27 = arith.cmpf ogt, %get3A_24, %broadcast_in_dim3A_17 : vector<16xf32>
      %select_n3A = arith.select %gt3A_27, %broadcast_in_dim3A_26, %broadcast_in_dim3A_19 : vector<16xi1>, vector<16xi32>
      %select_n3A_28 = arith.select %gt3A, %broadcast_in_dim3A_15, %select_n3A : vector<16xi1>, vector<16xi32>
      %select_n3A_29 = arith.select %gt3A_27, %get3A_24, %broadcast_in_dim3A_17 : vector<16xi1>, vector<16xf32>
      %select_n3A_30 = arith.select %gt3A, %get3A_14, %select_n3A_29 : vector<16xi1>, vector<16xf32>
      %select_n3A_31 = arith.select %gt3A, %broadcast_in_dim3A_26, %broadcast_in_dim3A_15 : vector<16xi1>, vector<16xi32>
      %select_n3A_32 = arith.select %gt3A, %get3A_24, %get3A_14 : vector<16xi1>, vector<16xf32>
      %get3A_33 = arith.constant 2 : i32
      %get3A_34 = arith.index_cast %get3A_33 : i32 to index
      %get3A_35 = arith.index_cast %mul3A_10 : i32 to index
      %get3A_36 = tpu.vector_load %arg6[%get3A_34, %get3A_35] {strides = array<i32>} : memref<64x1024xf32, #tpu.memory_space<vmem>>, vector<1x16xf32>,
      %get3A_37 = vector.shape_cast %get3A_36 : vector<1x16xf32> to vector<16xf32>
      %broadcast_in_dim3A_38 = arith.constant 2 : i32
      %broadcast_in_dim3A_39 = vector.broadcast %broadcast_in_dim3A_38 : i32 to vector<16xi32>
      %gt3A_40 = arith.cmpf ogt, %get3A_37, %select_n3A_32 : vector<16xf32>
      %gt3A_41 = arith.cmpf ogt, %get3A_37, %select_n3A_30 : vector<16xf32>
      %select_n3A_42 = arith.select %gt3A_41, %broadcast_in_dim3A_39, %select_n3A_28 : vector<16xi1>, vector<16xi32>
      %select_n3A_43 = arith.select %gt3A_40, %select_n3A_31, %select_n3A_42 : vector<16xi1>, vector<16xi32>
      %select_n3A_44 = arith.select %gt3A_41, %get3A_37, %select_n3A_30 : vector<16xi1>, vector<16xf32>
      %select_n3A_45 = arith.select %gt3A_40, %select_n3A_32, %select_n3A_44 : vector<16xi1>, vector<16xf32>
      %select_n3A_46 = arith.select %gt3A_40, %broadcast_in_dim3A_39, %select_n3A_31 : vector<16xi1>, vector<16xi32>
      %select_n3A_47 = arith.select %gt3A_40, %get3A_37, %select_n3A_32 : vector<16xi1>, vector<16xf32>
      %get3A_48 = arith.constant 3 : i32
      %get3A_49 = arith.index_cast %get3A_48 : i32 to index
      %get3A_50 = arith.index_cast %mul3A_10 : i32 to index
      %get3A_51 = tpu.vector_load %arg6[%get3A_49, %get3A_50] {strides = array<i32>} : memref<64x1024xf32, #tpu.memory_space<vmem>>, vector<1x16xf32>,
      %get3A_52 = vector.shape_cast %get3A_51 : vector<1x16xf32> to vector<16xf32>
      %broadcast_in_dim3A_53 = arith.constant 3 : i32
      %broadcast_in_dim3A_54 = vector.broadcast %broadcast_in_dim3A_53 : i32 to vector<16xi32>
      %gt3A_55 = arith.cmpf ogt, %get3A_52, %select_n3A_47 : vector<16xf32>
      %gt3A_56 = arith.cmpf ogt, %get3A_52, %select_n3A_45 : vector<16xf32>
      %select_n3A_57 = arith.select %gt3A_56, %broadcast_in_dim3A_54, %select_n3A_43 : vector<16xi1>, vector<16xi32>
      %select_n3A_58 = arith.select %gt3A_55, %select_n3A_46, %select_n3A_57 : vector<16xi1>, vector<16xi32>
      %select_n3A_59 = arith.select %gt3A_56, %get3A_52, %select_n3A_45 : vector<16xi1>, vector<16xf32>
      %select_n3A_60 = arith.select %gt3A_55, %select_n3A_47, %select_n3A_59 : vector<16xi1>, vector<16xf32>
      %select_n3A_61 = arith.select %gt3A_55, %broadcast_in_dim3A_54, %select_n3A_46 : vector<16xi1>, vector<16xi32>
      %select_n3A_62 = arith.select %gt3A_55, %get3A_52, %select_n3A_47 : vector<16xi1>, vector<16xf32>
      %get3A_63 = arith.constant 4 : i32
      %get3A_64 = arith.index_cast %get3A_63 : i32 to index
      %get3A_65 = arith.index_cast %mul3A_10 : i32 to index
      %get3A_66 = tpu.vector_load %arg6[%get3A_64, %get3A_65] {strides = array<i32>} : memref<64x1024xf32, #tpu.memory_space<vmem>>, vector<1x16xf32>,
      %get3A_67 = vector.shape_cast %get3A_66 : vector<1x16xf32> to vector<16xf32>
      %broadcast_in_dim3A_68 = arith.constant 4 : i32
      %broadcast_in_dim3A_69 = vector.broadcast %broadcast_in_dim3A_68 : i32 to vector<16xi32>
      %gt3A_70 = arith.cmpf ogt, %get3A_67, %select_n3A_62 : vector<16xf32>
      %gt3A_71 = arith.cmpf ogt, %get3A_67, %select_n3A_60 : vector<16xf32>
      %select_n3A_72 = arith.select %gt3A_71, %broadcast_in_dim3A_69, %select_n3A_58 : vector<16xi1>, vector<16xi32>
      %select_n3A_73 = arith.select %gt3A_70, %select_n3A_61, %select_n3A_72 : vector<16xi1>, vector<16xi32>
      %select_n3A_74 = arith.select %gt3A_71, %get3A_67, %select_n3A_60 : vector<16xi1>, vector<16xf32>
      %select_n3A_75 = arith.select %gt3A_70, %select_n3A_62, %select_n3A_74 : vector<16xi1>, vector<16xf32>
      %select_n3A_76 = arith.select %gt3A_70, %broadcast_in_dim3A_69, %select_n3A_61 : vector<16xi1>, vector<16xi32>
      %select_n3A_77 = arith.select %gt3A_70, %get3A_67, %select_n3A_62 : vector<16xi1>, vector<16xf32>
      %get3A_78 = arith.constant 5 : i32
      %get3A_79 = arith.index_cast %get3A_78 : i32 to index
      %get3A_80 = arith.index_cast %mul3A_10 : i32 to index
      %get3A_81 = tpu.vector_load %arg6[%get3A_79, %get3A_80] {strides = array<i32>} : memref<64x1024xf32, #tpu.memory_space<vmem>>, vector<1x16xf32>,
      %get3A_82 = vector.shape_cast %get3A_81 : vector<1x16xf32> to vector<16xf32>
      %broadcast_in_dim3A_83 = arith.constant 5 : i32
      %broadcast_in_dim3A_84 = vector.broadcast %broadcast_in_dim3A_83 : i32 to vector<16xi32>
      %gt3A_85 = arith.cmpf ogt, %get3A_82, %select_n3A_77 : vector<16xf32>
      %gt3A_86 = arith.cmpf ogt, %get3A_82, %select_n3A_75 : vector<16xf32>
      %select_n3A_87 = arith.select %gt3A_86, %broadcast_in_dim3A_84, %select_n3A_73 : vector<16xi1>, vector<16xi32>
      %select_n3A_88 = arith.select %gt3A_85, %select_n3A_76, %select_n3A_87 : vector<16xi1>, vector<16xi32>
      %select_n3A_89 = arith.select %gt3A_86, %get3A_82, %select_n3A_75 : vector<16xi1>, vector<16xf32>
      %select_n3A_90 = arith.select %gt3A_85, %select_n3A_77, %select_n3A_89 : vector<16xi1>, vector<16xf32>
      %select_n3A_91 = arith.select %gt3A_85, %broadcast_in_dim3A_84, %select_n3A_76 : vector<16xi1>, vector<16xi32>
      %select_n3A_92 = arith.select %gt3A_85, %get3A_82, %select_n3A_77 : vector<16xi1>, vector<16xf32>
      %get3A_93 = arith.constant 6 : i32
      %get3A_94 = arith.index_cast %get3A_93 : i32 to index
      %get3A_95 = arith.index_cast %mul3A_10 : i32 to index
      %get3A_96 = tpu.vector_load %arg6[%get3A_94, %get3A_95] {strides = array<i32>} : memref<64x1024xf32, #tpu.memory_space<vmem>>, vector<1x16xf32>,
      %get3A_97 = vector.shape_cast %get3A_96 : vector<1x16xf32> to vector<16xf32>
      %broadcast_in_dim3A_98 = arith.constant 6 : i32
      %broadcast_in_dim3A_99 = vector.broadcast %broadcast_in_dim3A_98 : i32 to vector<16xi32>
      %gt3A_100 = arith.cmpf ogt, %get3A_97, %select_n3A_92 : vector<16xf32>
      %gt3A_101 = arith.cmpf ogt, %get3A_97, %select_n3A_90 : vector<16xf32>
      %select_n3A_102 = arith.select %gt3A_101, %broadcast_in_dim3A_99, %select_n3A_88 : vector<16xi1>, vector<16xi32>
      %select_n3A_103 = arith.select %gt3A_100, %select_n3A_91, %select_n3A_102 : vector<16xi1>, vector<16xi32>
      %select_n3A_104 = arith.select %gt3A_101, %get3A_97, %select_n3A_90 : vector<16xi1>, vector<16xf32>
      %select_n3A_105 = arith.select %gt3A_100, %select_n3A_92, %select_n3A_104 : vector<16xi1>, vector<16xf32>
      %select_n3A_106 = arith.select %gt3A_100, %broadcast_in_dim3A_99, %select_n3A_91 : vector<16xi1>, vector<16xi32>
      %select_n3A_107 = arith.select %gt3A_100, %get3A_97, %select_n3A_92 : vector<16xi1>, vector<16xf32>
      %get3A_108 = arith.constant 7 : i32
      %get3A_109 = arith.index_cast %get3A_108 : i32 to index
      %get3A_110 = arith.index_cast %mul3A_10 : i32 to index
      %get3A_111 = tpu.vector_load %arg6[%get3A_109, %get3A_110] {strides = array<i32>} : memref<64x1024xf32, #tpu.memory_space<vmem>>, vector<1x16xf32>,
      %get3A_112 = vector.shape_cast %get3A_111 : vector<1x16xf32> to vector<16xf32>
      %broadcast_in_dim3A_113 = arith.constant 7 : i32
      %broadcast_in_dim3A_114 = vector.broadcast %broadcast_in_dim3A_113 : i32 to vector<16xi32>
      %gt3A_115 = arith.cmpf ogt, %get3A_112, %select_n3A_107 : vector<16xf32>
      %gt3A_116 = arith.cmpf ogt, %get3A_112, %select_n3A_105 : vector<16xf32>
      %select_n3A_117 = arith.select %gt3A_116, %broadcast_in_dim3A_114, %select_n3A_103 : vector<16xi1>, vector<16xi32>
      %select_n3A_118 = arith.select %gt3A_115, %select_n3A_106, %select_n3A_117 : vector<16xi1>, vector<16xi32>
      %select_n3A_119 = arith.select %gt3A_116, %get3A_112, %select_n3A_105 : vector<16xi1>, vector<16xf32>
      %select_n3A_120 = arith.select %gt3A_115, %select_n3A_107, %select_n3A_119 : vector<16xi1>, vector<16xf32>
      %select_n3A_121 = arith.select %gt3A_115, %broadcast_in_dim3A_114, %select_n3A_106 : vector<16xi1>, vector<16xi32>
      %select_n3A_122 = arith.select %gt3A_115, %get3A_112, %select_n3A_107 : vector<16xi1>, vector<16xf32>
      %get3A_123 = arith.constant 8 : i32
      %get3A_124 = arith.index_cast %get3A_123 : i32 to index
      %get3A_125 = arith.index_cast %mul3A_10 : i32 to index
      %get3A_126 = tpu.vector_load %arg6[%get3A_124, %get3A_125] {strides = array<i32>} : memref<64x1024xf32, #tpu.memory_space<vmem>>, vector<1x16xf32>,
      %get3A_127 = vector.shape_cast %get3A_126 : vector<1x16xf32> to vector<16xf32>
      %broadcast_in_dim3A_128 = arith.constant 8 : i32
      %broadcast_in_dim3A_129 = vector.broadcast %broadcast_in_dim3A_128 : i32 to vector<16xi32>
      %gt3A_130 = arith.cmpf ogt, %get3A_127, %select_n3A_122 : vector<16xf32>
      %gt3A_131 = arith.cmpf ogt, %get3A_127, %select_n3A_120 : vector<16xf32>
      %select_n3A_132 = arith.select %gt3A_131, %broadcast_in_dim3A_129, %select_n3A_118 : vector<16xi1>, vector<16xi32>
      %select_n3A_133 = arith.select %gt3A_130, %select_n3A_121, %select_n3A_132 : vector<16xi1>, vector<16xi32>
      %select_n3A_134 = arith.select %gt3A_131, %get3A_127, %select_n3A_120 : vector<16xi1>, vector<16xf32>
      %select_n3A_135 = arith.select %gt3A_130, %select_n3A_122, %select_n3A_134 : vector<16xi1>, vector<16xf32>
      %select_n3A_136 = arith.select %gt3A_130, %broadcast_in_dim3A_129, %select_n3A_121 : vector<16xi1>, vector<16xi32>
      %select_n3A_137 = arith.select %gt3A_130, %get3A_127, %select_n3A_122 : vector<16xi1>, vector<16xf32>
      %get3A_138 = arith.constant 9 : i32
      %get3A_139 = arith.index_cast %get3A_138 : i32 to index
      %get3A_140 = arith.index_cast %mul3A_10 : i32 to index
      %get3A_141 = tpu.vector_load %arg6[%get3A_139, %get3A_140] {strides = array<i32>} : memref<64x1024xf32, #tpu.memory_space<vmem>>, vector<1x16xf32>,
      %get3A_142 = vector.shape_cast %get3A_141 : vector<1x16xf32> to vector<16xf32>
      %broadcast_in_dim3A_143 = arith.constant 9 : i32
      %broadcast_in_dim3A_144 = vector.broadcast %broadcast_in_dim3A_143 : i32 to vector<16xi32>
      %gt3A_145 = arith.cmpf ogt, %get3A_142, %select_n3A_137 : vector<16xf32>
      %gt3A_146 = arith.cmpf ogt, %get3A_142, %select_n3A_135 : vector<16xf32>
      %select_n3A_147 = arith.select %gt3A_146, %broadcast_in_dim3A_144, %select_n3A_133 : vector<16xi1>, vector<16xi32>
      %select_n3A_148 = arith.select %gt3A_145, %select_n3A_136, %select_n3A_147 : vector<16xi1>, vector<16xi32>
      %select_n3A_149 = arith.select %gt3A_146, %get3A_142, %select_n3A_135 : vector<16xi1>, vector<16xf32>
      %select_n3A_150 = arith.select %gt3A_145, %select_n3A_137, %select_n3A_149 : vector<16xi1>, vector<16xf32>
      %select_n3A_151 = arith.select %gt3A_145, %broadcast_in_dim3A_144, %select_n3A_136 : vector<16xi1>, vector<16xi32>
      %select_n3A_152 = arith.select %gt3A_145, %get3A_142, %select_n3A_137 : vector<16xi1>, vector<16xf32>
      %get3A_153 = arith.constant 10 : i32
      %get3A_154 = arith.index_cast %get3A_153 : i32 to index
      %get3A_155 = arith.index_cast %mul3A_10 : i32 to index
      %get3A_156 = tpu.vector_load %arg6[%get3A_154, %get3A_155] {strides = array<i32>} : memref<64x1024xf32, #tpu.memory_space<vmem>>, vector<1x16xf32>,
      %get3A_157 = vector.shape_cast %get3A_156 : vector<1x16xf32> to vector<16xf32>
      %broadcast_in_dim3A_158 = arith.constant 10 : i32
      %broadcast_in_dim3A_159 = vector.broadcast %broadcast_in_dim3A_158 : i32 to vector<16xi32>
      %gt3A_160 = arith.cmpf ogt, %get3A_157, %select_n3A_152 : vector<16xf32>
      %gt3A_161 = arith.cmpf ogt, %get3A_157, %select_n3A_150 : vector<16xf32>
      %select_n3A_162 = arith.select %gt3A_161, %broadcast_in_dim3A_159, %select_n3A_148 : vector<16xi1>, vector<16xi32>
      %select_n3A_163 = arith.select %gt3A_160, %select_n3A_151, %select_n3A_162 : vector<16xi1>, vector<16xi32>
      %select_n3A_164 = arith.select %gt3A_161, %get3A_157, %select_n3A_150 : vector<16xi1>, vector<16xf32>
      %select_n3A_165 = arith.select %gt3A_160, %select_n3A_152, %select_n3A_164 : vector<16xi1>, vector<16xf32>
      %select_n3A_166 = arith.select %gt3A_160, %broadcast_in_dim3A_159, %select_n3A_151 : vector<16xi1>, vector<16xi32>
      %select_n3A_167 = arith.select %gt3A_160, %get3A_157, %select_n3A_152 : vector<16xi1>, vector<16xf32>
      %get3A_168 = arith.constant 11 : i32
      %get3A_169 = arith.index_cast %get3A_168 : i32 to index
      %get3A_170 = arith.index_cast %mul3A_10 : i32 to index
      %get3A_171 = tpu.vector_load %arg6[%get3A_169, %get3A_170] {strides = array<i32>} : memref<64x1024xf32, #tpu.memory_space<vmem>>, vector<1x16xf32>,
      %get3A_172 = vector.shape_cast %get3A_171 : vector<1x16xf32> to vector<16xf32>
      %broadcast_in_dim3A_173 = arith.constant 11 : i32
      %broadcast_in_dim3A_174 = vector.broadcast %broadcast_in_dim3A_173 : i32 to vector<16xi32>
      %gt3A_175 = arith.cmpf ogt, %get3A_172, %select_n3A_167 : vector<16xf32>
      %gt3A_176 = arith.cmpf ogt, %get3A_172, %select_n3A_165 : vector<16xf32>
      %select_n3A_177 = arith.select %gt3A_176, %broadcast_in_dim3A_174, %select_n3A_163 : vector<16xi1>, vector<16xi32>
      %select_n3A_178 = arith.select %gt3A_175, %select_n3A_166, %select_n3A_177 : vector<16xi1>, vector<16xi32>
      %select_n3A_179 = arith.select %gt3A_176, %get3A_172, %select_n3A_165 : vector<16xi1>, vector<16xf32>
      %select_n3A_180 = arith.select %gt3A_175, %select_n3A_167, %select_n3A_179 : vector<16xi1>, vector<16xf32>
      %select_n3A_181 = arith.select %gt3A_175, %broadcast_in_dim3A_174, %select_n3A_166 : vector<16xi1>, vector<16xi32>
      %select_n3A_182 = arith.select %gt3A_175, %get3A_172, %select_n3A_167 : vector<16xi1>, vector<16xf32>
      %get3A_183 = arith.constant 12 : i32
      %get3A_184 = arith.index_cast %get3A_183 : i32 to index
      %get3A_185 = arith.index_cast %mul3A_10 : i32 to index
      %get3A_186 = tpu.vector_load %arg6[%get3A_184, %get3A_185] {strides = array<i32>} : memref<64x1024xf32, #tpu.memory_space<vmem>>, vector<1x16xf32>,
      %get3A_187 = vector.shape_cast %get3A_186 : vector<1x16xf32> to vector<16xf32>
      %broadcast_in_dim3A_188 = arith.constant 12 : i32
      %broadcast_in_dim3A_189 = vector.broadcast %broadcast_in_dim3A_188 : i32 to vector<16xi32>
      %gt3A_190 = arith.cmpf ogt, %get3A_187, %select_n3A_182 : vector<16xf32>
      %gt3A_191 = arith.cmpf ogt, %get3A_187, %select_n3A_180 : vector<16xf32>
      %select_n3A_192 = arith.select %gt3A_191, %broadcast_in_dim3A_189, %select_n3A_178 : vector<16xi1>, vector<16xi32>
      %select_n3A_193 = arith.select %gt3A_190, %select_n3A_181, %select_n3A_192 : vector<16xi1>, vector<16xi32>
      %select_n3A_194 = arith.select %gt3A_191, %get3A_187, %select_n3A_180 : vector<16xi1>, vector<16xf32>
      %select_n3A_195 = arith.select %gt3A_190, %select_n3A_182, %select_n3A_194 : vector<16xi1>, vector<16xf32>
      %select_n3A_196 = arith.select %gt3A_190, %broadcast_in_dim3A_189, %select_n3A_181 : vector<16xi1>, vector<16xi32>
      %select_n3A_197 = arith.select %gt3A_190, %get3A_187, %select_n3A_182 : vector<16xi1>, vector<16xf32>
      %get3A_198 = arith.constant 13 : i32
      %get3A_199 = arith.index_cast %get3A_198 : i32 to index
      %get3A_200 = arith.index_cast %mul3A_10 : i32 to index
      %get3A_201 = tpu.vector_load %arg6[%get3A_199, %get3A_200] {strides = array<i32>} : memref<64x1024xf32, #tpu.memory_space<vmem>>, vector<1x16xf32>,
      %get3A_202 = vector.shape_cast %get3A_201 : vector<1x16xf32> to vector<16xf32>
      %broadcast_in_dim3A_203 = arith.constant 13 : i32
      %broadcast_in_dim3A_204 = vector.broadcast %broadcast_in_dim3A_203 : i32 to vector<16xi32>
      %gt3A_205 = arith.cmpf ogt, %get3A_202, %select_n3A_197 : vector<16xf32>
      %gt3A_206 = arith.cmpf ogt, %get3A_202, %select_n3A_195 : vector<16xf32>
      %select_n3A_207 = arith.select %gt3A_206, %broadcast_in_dim3A_204, %select_n3A_193 : vector<16xi1>, vector<16xi32>
      %select_n3A_208 = arith.select %gt3A_205, %select_n3A_196, %select_n3A_207 : vector<16xi1>, vector<16xi32>
      %select_n3A_209 = arith.select %gt3A_206, %get3A_202, %select_n3A_195 : vector<16xi1>, vector<16xf32>
      %select_n3A_210 = arith.select %gt3A_205, %select_n3A_197, %select_n3A_209 : vector<16xi1>, vector<16xf32>
      %select_n3A_211 = arith.select %gt3A_205, %broadcast_in_dim3A_204, %select_n3A_196 : vector<16xi1>, vector<16xi32>
      %select_n3A_212 = arith.select %gt3A_205, %get3A_202, %select_n3A_197 : vector<16xi1>, vector<16xf32>
      %get3A_213 = arith.constant 14 : i32
      %get3A_214 = arith.index_cast %get3A_213 : i32 to index
      %get3A_215 = arith.index_cast %mul3A_10 : i32 to index
      %get3A_216 = tpu.vector_load %arg6[%get3A_214, %get3A_215] {strides = array<i32>} : memref<64x1024xf32, #tpu.memory_space<vmem>>, vector<1x16xf32>,
      %get3A_217 = vector.shape_cast %get3A_216 : vector<1x16xf32> to vector<16xf32>
      %broadcast_in_dim3A_218 = arith.constant 14 : i32
      %broadcast_in_dim3A_219 = vector.broadcast %broadcast_in_dim3A_218 : i32 to vector<16xi32>
      %gt3A_220 = arith.cmpf ogt, %get3A_217, %select_n3A_212 : vector<16xf32>
      %gt3A_221 = arith.cmpf ogt, %get3A_217, %select_n3A_210 : vector<16xf32>
      %select_n3A_222 = arith.select %gt3A_221, %broadcast_in_dim3A_219, %select_n3A_208 : vector<16xi1>, vector<16xi32>
      %select_n3A_223 = arith.select %gt3A_220, %select_n3A_211, %select_n3A_222 : vector<16xi1>, vector<16xi32>
      %select_n3A_224 = arith.select %gt3A_221, %get3A_217, %select_n3A_210 : vector<16xi1>, vector<16xf32>
      %select_n3A_225 = arith.select %gt3A_220, %select_n3A_212, %select_n3A_224 : vector<16xi1>, vector<16xf32>
      %select_n3A_226 = arith.select %gt3A_220, %broadcast_in_dim3A_219, %select_n3A_211 : vector<16xi1>, vector<16xi32>
      %select_n3A_227 = arith.select %gt3A_220, %get3A_217, %select_n3A_212 : vector<16xi1>, vector<16xf32>
      %get3A_228 = arith.constant 15 : i32
      %get3A_229 = arith.index_cast %get3A_228 : i32 to index
      %get3A_230 = arith.index_cast %mul3A_10 : i32 to index
      %get3A_231 = tpu.vector_load %arg6[%get3A_229, %get3A_230] {strides = array<i32>} : memref<64x1024xf32, #tpu.memory_space<vmem>>, vector<1x16xf32>,
      %get3A_232 = vector.shape_cast %get3A_231 : vector<1x16xf32> to vector<16xf32>
      %broadcast_in_dim3A_233 = arith.constant 15 : i32
      %broadcast_in_dim3A_234 = vector.broadcast %broadcast_in_dim3A_233 : i32 to vector<16xi32>
      %gt3A_235 = arith.cmpf ogt, %get3A_232, %select_n3A_227 : vector<16xf32>
      %gt3A_236 = arith.cmpf ogt, %get3A_232, %select_n3A_225 : vector<16xf32>
      %select_n3A_237 = arith.select %gt3A_236, %broadcast_in_dim3A_234, %select_n3A_223 : vector<16xi1>, vector<16xi32>
      %select_n3A_238 = arith.select %gt3A_235, %select_n3A_226, %select_n3A_237 : vector<16xi1>, vector<16xi32>
      %select_n3A_239 = arith.select %gt3A_236, %get3A_232, %select_n3A_225 : vector<16xi1>, vector<16xf32>
      %select_n3A_240 = arith.select %gt3A_235, %select_n3A_227, %select_n3A_239 : vector<16xi1>, vector<16xf32>
      %select_n3A_241 = arith.select %gt3A_235, %broadcast_in_dim3A_234, %select_n3A_226 : vector<16xi1>, vector<16xi32>
      %select_n3A_242 = arith.select %gt3A_235, %get3A_232, %select_n3A_227 : vector<16xi1>, vector<16xf32>
      %get3A_243 = arith.constant 16 : i32
      %get3A_244 = arith.index_cast %get3A_243 : i32 to index
      %get3A_245 = arith.index_cast %mul3A_10 : i32 to index
      %get3A_246 = tpu.vector_load %arg6[%get3A_244, %get3A_245] {strides = array<i32>} : memref<64x1024xf32, #tpu.memory_space<vmem>>, vector<1x16xf32>,
      %get3A_247 = vector.shape_cast %get3A_246 : vector<1x16xf32> to vector<16xf32>
      %broadcast_in_dim3A_248 = arith.constant 16 : i32
      %broadcast_in_dim3A_249 = vector.broadcast %broadcast_in_dim3A_248 : i32 to vector<16xi32>
      %gt3A_250 = arith.cmpf ogt, %get3A_247, %select_n3A_242 : vector<16xf32>
      %gt3A_251 = arith.cmpf ogt, %get3A_247, %select_n3A_240 : vector<16xf32>
      %select_n3A_252 = arith.select %gt3A_251, %broadcast_in_dim3A_249, %select_n3A_238 : vector<16xi1>, vector<16xi32>
      %select_n3A_253 = arith.select %gt3A_250, %select_n3A_241, %select_n3A_252 : vector<16xi1>, vector<16xi32>
      %select_n3A_254 = arith.select %gt3A_251, %get3A_247, %select_n3A_240 : vector<16xi1>, vector<16xf32>
      %select_n3A_255 = arith.select %gt3A_250, %select_n3A_242, %select_n3A_254 : vector<16xi1>, vector<16xf32>
      %select_n3A_256 = arith.select %gt3A_250, %broadcast_in_dim3A_249, %select_n3A_241 : vector<16xi1>, vector<16xi32>
      %select_n3A_257 = arith.select %gt3A_250, %get3A_247, %select_n3A_242 : vector<16xi1>, vector<16xf32>
      %get3A_258 = arith.constant 17 : i32
      %get3A_259 = arith.index_cast %get3A_258 : i32 to index
      %get3A_260 = arith.index_cast %mul3A_10 : i32 to index
      %get3A_261 = tpu.vector_load %arg6[%get3A_259, %get3A_260] {strides = array<i32>} : memref<64x1024xf32, #tpu.memory_space<vmem>>, vector<1x16xf32>,
      %get3A_262 = vector.shape_cast %get3A_261 : vector<1x16xf32> to vector<16xf32>
      %broadcast_in_dim3A_263 = arith.constant 17 : i32
      %broadcast_in_dim3A_264 = vector.broadcast %broadcast_in_dim3A_263 : i32 to vector<16xi32>
      %gt3A_265 = arith.cmpf ogt, %get3A_262, %select_n3A_257 : vector<16xf32>
      %gt3A_266 = arith.cmpf ogt, %get3A_262, %select_n3A_255 : vector<16xf32>
      %select_n3A_267 = arith.select %gt3A_266, %broadcast_in_dim3A_264, %select_n3A_253 : vector<16xi1>, vector<16xi32>
      %select_n3A_268 = arith.select %gt3A_265, %select_n3A_256, %select_n3A_267 : vector<16xi1>, vector<16xi32>
      %select_n3A_269 = arith.select %gt3A_266, %get3A_262, %select_n3A_255 : vector<16xi1>, vector<16xf32>
      %select_n3A_270 = arith.select %gt3A_265, %select_n3A_257, %select_n3A_269 : vector<16xi1>, vector<16xf32>
      %select_n3A_271 = arith.select %gt3A_265, %broadcast_in_dim3A_264, %select_n3A_256 : vector<16xi1>, vector<16xi32>
      %select_n3A_272 = arith.select %gt3A_265, %get3A_262, %select_n3A_257 : vector<16xi1>, vector<16xf32>
      %get3A_273 = arith.constant 18 : i32
      %get3A_274 = arith.index_cast %get3A_273 : i32 to index
      %get3A_275 = arith.index_cast %mul3A_10 : i32 to index
      %get3A_276 = tpu.vector_load %arg6[%get3A_274, %get3A_275] {strides = array<i32>} : memref<64x1024xf32, #tpu.memory_space<vmem>>, vector<1x16xf32>,
      %get3A_277 = vector.shape_cast %get3A_276 : vector<1x16xf32> to vector<16xf32>
      %broadcast_in_dim3A_278 = arith.constant 18 : i32
      %broadcast_in_dim3A_279 = vector.broadcast %broadcast_in_dim3A_278 : i32 to vector<16xi32>
      %gt3A_280 = arith.cmpf ogt, %get3A_277, %select_n3A_272 : vector<16xf32>
      %gt3A_281 = arith.cmpf ogt, %get3A_277, %select_n3A_270 : vector<16xf32>
      %select_n3A_282 = arith.select %gt3A_281, %broadcast_in_dim3A_279, %select_n3A_268 : vector<16xi1>, vector<16xi32>
      %select_n3A_283 = arith.select %gt3A_280, %select_n3A_271, %select_n3A_282 : vector<16xi1>, vector<16xi32>
      %select_n3A_284 = arith.select %gt3A_281, %get3A_277, %select_n3A_270 : vector<16xi1>, vector<16xf32>
      %select_n3A_285 = arith.select %gt3A_280, %select_n3A_272, %select_n3A_284 : vector<16xi1>, vector<16xf32>
      %select_n3A_286 = arith.select %gt3A_280, %broadcast_in_dim3A_279, %select_n3A_271 : vector<16xi1>, vector<16xi32>
      %select_n3A_287 = arith.select %gt3A_280, %get3A_277, %select_n3A_272 : vector<16xi1>, vector<16xf32>
      %get3A_288 = arith.constant 19 : i32
      %get3A_289 = arith.index_cast %get3A_288 : i32 to index
      %get3A_290 = arith.index_cast %mul3A_10 : i32 to index
      %get3A_291 = tpu.vector_load %arg6[%get3A_289, %get3A_290] {strides = array<i32>} : memref<64x1024xf32, #tpu.memory_space<vmem>>, vector<1x16xf32>,
      %get3A_292 = vector.shape_cast %get3A_291 : vector<1x16xf32> to vector<16xf32>
      %broadcast_in_dim3A_293 = arith.constant 19 : i32
      %broadcast_in_dim3A_294 = vector.broadcast %broadcast_in_dim3A_293 : i32 to vector<16xi32>
      %gt3A_295 = arith.cmpf ogt, %get3A_292, %select_n3A_287 : vector<16xf32>
      %gt3A_296 = arith.cmpf ogt, %get3A_292, %select_n3A_285 : vector<16xf32>
      %select_n3A_297 = arith.select %gt3A_296, %broadcast_in_dim3A_294, %select_n3A_283 : vector<16xi1>, vector<16xi32>
      %select_n3A_298 = arith.select %gt3A_295, %select_n3A_286, %select_n3A_297 : vector<16xi1>, vector<16xi32>
      %select_n3A_299 = arith.select %gt3A_296, %get3A_292, %select_n3A_285 : vector<16xi1>, vector<16xf32>
      %select_n3A_300 = arith.select %gt3A_295, %select_n3A_287, %select_n3A_299 : vector<16xi1>, vector<16xf32>
      %select_n3A_301 = arith.select %gt3A_295, %broadcast_in_dim3A_294, %select_n3A_286 : vector<16xi1>, vector<16xi32>
      %select_n3A_302 = arith.select %gt3A_295, %get3A_292, %select_n3A_287 : vector<16xi1>, vector<16xf32>
      %get3A_303 = arith.constant 20 : i32
      %get3A_304 = arith.index_cast %get3A_303 : i32 to index
      %get3A_305 = arith.index_cast %mul3A_10 : i32 to index
      %get3A_306 = tpu.vector_load %arg6[%get3A_304, %get3A_305] {strides = array<i32>} : memref<64x1024xf32, #tpu.memory_space<vmem>>, vector<1x16xf32>,
      %get3A_307 = vector.shape_cast %get3A_306 : vector<1x16xf32> to vector<16xf32>
      %broadcast_in_dim3A_308 = arith.constant 20 : i32
      %broadcast_in_dim3A_309 = vector.broadcast %broadcast_in_dim3A_308 : i32 to vector<16xi32>
      %gt3A_310 = arith.cmpf ogt, %get3A_307, %select_n3A_302 : vector<16xf32>
      %gt3A_311 = arith.cmpf ogt, %get3A_307, %select_n3A_300 : vector<16xf32>
      %select_n3A_312 = arith.select %gt3A_311, %broadcast_in_dim3A_309, %select_n3A_298 : vector<16xi1>, vector<16xi32>
      %select_n3A_313 = arith.select %gt3A_310, %select_n3A_301, %select_n3A_312 : vector<16xi1>, vector<16xi32>
      %select_n3A_314 = arith.select %gt3A_311, %get3A_307, %select_n3A_300 : vector<16xi1>, vector<16xf32>
      %select_n3A_315 = arith.select %gt3A_310, %select_n3A_302, %select_n3A_314 : vector<16xi1>, vector<16xf32>
      %select_n3A_316 = arith.select %gt3A_310, %broadcast_in_dim3A_309, %select_n3A_301 : vector<16xi1>, vector<16xi32>
      %select_n3A_317 = arith.select %gt3A_310, %get3A_307, %select_n3A_302 : vector<16xi1>, vector<16xf32>
      %get3A_318 = arith.constant 21 : i32
      %get3A_319 = arith.index_cast %get3A_318 : i32 to index
      %get3A_320 = arith.index_cast %mul3A_10 : i32 to index
      %get3A_321 = tpu.vector_load %arg6[%get3A_319, %get3A_320] {strides = array<i32>} : memref<64x1024xf32, #tpu.memory_space<vmem>>, vector<1x16xf32>,
      %get3A_322 = vector.shape_cast %get3A_321 : vector<1x16xf32> to vector<16xf32>
      %broadcast_in_dim3A_323 = arith.constant 21 : i32
      %broadcast_in_dim3A_324 = vector.broadcast %broadcast_in_dim3A_323 : i32 to vector<16xi32>
      %gt3A_325 = arith.cmpf ogt, %get3A_322, %select_n3A_317 : vector<16xf32>
      %gt3A_326 = arith.cmpf ogt, %get3A_322, %select_n3A_315 : vector<16xf32>
      %select_n3A_327 = arith.select %gt3A_326, %broadcast_in_dim3A_324, %select_n3A_313 : vector<16xi1>, vector<16xi32>
      %select_n3A_328 = arith.select %gt3A_325, %select_n3A_316, %select_n3A_327 : vector<16xi1>, vector<16xi32>
      %select_n3A_329 = arith.select %gt3A_326, %get3A_322, %select_n3A_315 : vector<16xi1>, vector<16xf32>
      %select_n3A_330 = arith.select %gt3A_325, %select_n3A_317, %select_n3A_329 : vector<16xi1>, vector<16xf32>
      %select_n3A_331 = arith.select %gt3A_325, %broadcast_in_dim3A_324, %select_n3A_316 : vector<16xi1>, vector<16xi32>
      %select_n3A_332 = arith.select %gt3A_325, %get3A_322, %select_n3A_317 : vector<16xi1>, vector<16xf32>
      %get3A_333 = arith.constant 22 : i32
      %get3A_334 = arith.index_cast %get3A_333 : i32 to index
      %get3A_335 = arith.index_cast %mul3A_10 : i32 to index
      %get3A_336 = tpu.vector_load %arg6[%get3A_334, %get3A_335] {strides = array<i32>} : memref<64x1024xf32, #tpu.memory_space<vmem>>, vector<1x16xf32>,
      %get3A_337 = vector.shape_cast %get3A_336 : vector<1x16xf32> to vector<16xf32>
      %broadcast_in_dim3A_338 = arith.constant 22 : i32
      %broadcast_in_dim3A_339 = vector.broadcast %broadcast_in_dim3A_338 : i32 to vector<16xi32>
      %gt3A_340 = arith.cmpf ogt, %get3A_337, %select_n3A_332 : vector<16xf32>
      %gt3A_341 = arith.cmpf ogt, %get3A_337, %select_n3A_330 : vector<16xf32>
      %select_n3A_342 = arith.select %gt3A_341, %broadcast_in_dim3A_339, %select_n3A_328 : vector<16xi1>, vector<16xi32>
      %select_n3A_343 = arith.select %gt3A_340, %select_n3A_331, %select_n3A_342 : vector<16xi1>, vector<16xi32>
      %select_n3A_344 = arith.select %gt3A_341, %get3A_337, %select_n3A_330 : vector<16xi1>, vector<16xf32>
      %select_n3A_345 = arith.select %gt3A_340, %select_n3A_332, %select_n3A_344 : vector<16xi1>, vector<16xf32>
      %select_n3A_346 = arith.select %gt3A_340, %broadcast_in_dim3A_339, %select_n3A_331 : vector<16xi1>, vector<16xi32>
      %select_n3A_347 = arith.select %gt3A_340, %get3A_337, %select_n3A_332 : vector<16xi1>, vector<16xf32>
      %get3A_348 = arith.constant 23 : i32
      %get3A_349 = arith.index_cast %get3A_348 : i32 to index
      %get3A_350 = arith.index_cast %mul3A_10 : i32 to index
      %get3A_351 = tpu.vector_load %arg6[%get3A_349, %get3A_350] {strides = array<i32>} : memref<64x1024xf32, #tpu.memory_space<vmem>>, vector<1x16xf32>,
      %get3A_352 = vector.shape_cast %get3A_351 : vector<1x16xf32> to vector<16xf32>
      %broadcast_in_dim3A_353 = arith.constant 23 : i32
      %broadcast_in_dim3A_354 = vector.broadcast %broadcast_in_dim3A_353 : i32 to vector<16xi32>
      %gt3A_355 = arith.cmpf ogt, %get3A_352, %select_n3A_347 : vector<16xf32>
      %gt3A_356 = arith.cmpf ogt, %get3A_352, %select_n3A_345 : vector<16xf32>
      %select_n3A_357 = arith.select %gt3A_356, %broadcast_in_dim3A_354, %select_n3A_343 : vector<16xi1>, vector<16xi32>
      %select_n3A_358 = arith.select %gt3A_355, %select_n3A_346, %select_n3A_357 : vector<16xi1>, vector<16xi32>
      %select_n3A_359 = arith.select %gt3A_356, %get3A_352, %select_n3A_345 : vector<16xi1>, vector<16xf32>
      %select_n3A_360 = arith.select %gt3A_355, %select_n3A_347, %select_n3A_359 : vector<16xi1>, vector<16xf32>
      %select_n3A_361 = arith.select %gt3A_355, %broadcast_in_dim3A_354, %select_n3A_346 : vector<16xi1>, vector<16xi32>
      %select_n3A_362 = arith.select %gt3A_355, %get3A_352, %select_n3A_347 : vector<16xi1>, vector<16xf32>
      %get3A_363 = arith.constant 24 : i32
      %get3A_364 = arith.index_cast %get3A_363 : i32 to index
      %get3A_365 = arith.index_cast %mul3A_10 : i32 to index
      %get3A_366 = tpu.vector_load %arg6[%get3A_364, %get3A_365] {strides = array<i32>} : memref<64x1024xf32, #tpu.memory_space<vmem>>, vector<1x16xf32>,
      %get3A_367 = vector.shape_cast %get3A_366 : vector<1x16xf32> to vector<16xf32>
      %broadcast_in_dim3A_368 = arith.constant 24 : i32
      %broadcast_in_dim3A_369 = vector.broadcast %broadcast_in_dim3A_368 : i32 to vector<16xi32>
      %gt3A_370 = arith.cmpf ogt, %get3A_367, %select_n3A_362 : vector<16xf32>
      %gt3A_371 = arith.cmpf ogt, %get3A_367, %select_n3A_360 : vector<16xf32>
      %select_n3A_372 = arith.select %gt3A_371, %broadcast_in_dim3A_369, %select_n3A_358 : vector<16xi1>, vector<16xi32>
      %select_n3A_373 = arith.select %gt3A_370, %select_n3A_361, %select_n3A_372 : vector<16xi1>, vector<16xi32>
      %select_n3A_374 = arith.select %gt3A_371, %get3A_367, %select_n3A_360 : vector<16xi1>, vector<16xf32>
      %select_n3A_375 = arith.select %gt3A_370, %select_n3A_362, %select_n3A_374 : vector<16xi1>, vector<16xf32>
      %select_n3A_376 = arith.select %gt3A_370, %broadcast_in_dim3A_369, %select_n3A_361 : vector<16xi1>, vector<16xi32>
      %select_n3A_377 = arith.select %gt3A_370, %get3A_367, %select_n3A_362 : vector<16xi1>, vector<16xf32>
      %get3A_378 = arith.constant 25 : i32
      %get3A_379 = arith.index_cast %get3A_378 : i32 to index
      %get3A_380 = arith.index_cast %mul3A_10 : i32 to index
      %get3A_381 = tpu.vector_load %arg6[%get3A_379, %get3A_380] {strides = array<i32>} : memref<64x1024xf32, #tpu.memory_space<vmem>>, vector<1x16xf32>,
      %get3A_382 = vector.shape_cast %get3A_381 : vector<1x16xf32> to vector<16xf32>
      %broadcast_in_dim3A_383 = arith.constant 25 : i32
      %broadcast_in_dim3A_384 = vector.broadcast %broadcast_in_dim3A_383 : i32 to vector<16xi32>
      %gt3A_385 = arith.cmpf ogt, %get3A_382, %select_n3A_377 : vector<16xf32>
      %gt3A_386 = arith.cmpf ogt, %get3A_382, %select_n3A_375 : vector<16xf32>
      %select_n3A_387 = arith.select %gt3A_386, %broadcast_in_dim3A_384, %select_n3A_373 : vector<16xi1>, vector<16xi32>
      %select_n3A_388 = arith.select %gt3A_385, %select_n3A_376, %select_n3A_387 : vector<16xi1>, vector<16xi32>
      %select_n3A_389 = arith.select %gt3A_386, %get3A_382, %select_n3A_375 : vector<16xi1>, vector<16xf32>
      %select_n3A_390 = arith.select %gt3A_385, %select_n3A_377, %select_n3A_389 : vector<16xi1>, vector<16xf32>
      %select_n3A_391 = arith.select %gt3A_385, %broadcast_in_dim3A_384, %select_n3A_376 : vector<16xi1>, vector<16xi32>
      %select_n3A_392 = arith.select %gt3A_385, %get3A_382, %select_n3A_377 : vector<16xi1>, vector<16xf32>
      %get3A_393 = arith.constant 26 : i32
      %get3A_394 = arith.index_cast %get3A_393 : i32 to index
      %get3A_395 = arith.index_cast %mul3A_10 : i32 to index
      %get3A_396 = tpu.vector_load %arg6[%get3A_394, %get3A_395] {strides = array<i32>} : memref<64x1024xf32, #tpu.memory_space<vmem>>, vector<1x16xf32>,
      %get3A_397 = vector.shape_cast %get3A_396 : vector<1x16xf32> to vector<16xf32>
      %broadcast_in_dim3A_398 = arith.constant 26 : i32
      %broadcast_in_dim3A_399 = vector.broadcast %broadcast_in_dim3A_398 : i32 to vector<16xi32>
      %gt3A_400 = arith.cmpf ogt, %get3A_397, %select_n3A_392 : vector<16xf32>
      %gt3A_401 = arith.cmpf ogt, %get3A_397, %select_n3A_390 : vector<16xf32>
      %select_n3A_402 = arith.select %gt3A_401, %broadcast_in_dim3A_399, %select_n3A_388 : vector<16xi1>, vector<16xi32>
      %select_n3A_403 = arith.select %gt3A_400, %select_n3A_391, %select_n3A_402 : vector<16xi1>, vector<16xi32>
      %select_n3A_404 = arith.select %gt3A_401, %get3A_397, %select_n3A_390 : vector<16xi1>, vector<16xf32>
      %select_n3A_405 = arith.select %gt3A_400, %select_n3A_392, %select_n3A_404 : vector<16xi1>, vector<16xf32>
      %select_n3A_406 = arith.select %gt3A_400, %broadcast_in_dim3A_399, %select_n3A_391 : vector<16xi1>, vector<16xi32>
      %select_n3A_407 = arith.select %gt3A_400, %get3A_397, %select_n3A_392 : vector<16xi1>, vector<16xf32>
      %get3A_408 = arith.constant 27 : i32
      %get3A_409 = arith.index_cast %get3A_408 : i32 to index
      %get3A_410 = arith.index_cast %mul3A_10 : i32 to index
      %get3A_411 = tpu.vector_load %arg6[%get3A_409, %get3A_410] {strides = array<i32>} : memref<64x1024xf32, #tpu.memory_space<vmem>>, vector<1x16xf32>,
      %get3A_412 = vector.shape_cast %get3A_411 : vector<1x16xf32> to vector<16xf32>
      %broadcast_in_dim3A_413 = arith.constant 27 : i32
      %broadcast_in_dim3A_414 = vector.broadcast %broadcast_in_dim3A_413 : i32 to vector<16xi32>
      %gt3A_415 = arith.cmpf ogt, %get3A_412, %select_n3A_407 : vector<16xf32>
      %gt3A_416 = arith.cmpf ogt, %get3A_412, %select_n3A_405 : vector<16xf32>
      %select_n3A_417 = arith.select %gt3A_416, %broadcast_in_dim3A_414, %select_n3A_403 : vector<16xi1>, vector<16xi32>
      %select_n3A_418 = arith.select %gt3A_415, %select_n3A_406, %select_n3A_417 : vector<16xi1>, vector<16xi32>
      %select_n3A_419 = arith.select %gt3A_416, %get3A_412, %select_n3A_405 : vector<16xi1>, vector<16xf32>
      %select_n3A_420 = arith.select %gt3A_415, %select_n3A_407, %select_n3A_419 : vector<16xi1>, vector<16xf32>
      %select_n3A_421 = arith.select %gt3A_415, %broadcast_in_dim3A_414, %select_n3A_406 : vector<16xi1>, vector<16xi32>
      %select_n3A_422 = arith.select %gt3A_415, %get3A_412, %select_n3A_407 : vector<16xi1>, vector<16xf32>
      %get3A_423 = arith.constant 28 : i32
      %get3A_424 = arith.index_cast %get3A_423 : i32 to index
      %get3A_425 = arith.index_cast %mul3A_10 : i32 to index
      %get3A_426 = tpu.vector_load %arg6[%get3A_424, %get3A_425] {strides = array<i32>} : memref<64x1024xf32, #tpu.memory_space<vmem>>, vector<1x16xf32>,
      %get3A_427 = vector.shape_cast %get3A_426 : vector<1x16xf32> to vector<16xf32>
      %broadcast_in_dim3A_428 = arith.constant 28 : i32
      %broadcast_in_dim3A_429 = vector.broadcast %broadcast_in_dim3A_428 : i32 to vector<16xi32>
      %gt3A_430 = arith.cmpf ogt, %get3A_427, %select_n3A_422 : vector<16xf32>
      %gt3A_431 = arith.cmpf ogt, %get3A_427, %select_n3A_420 : vector<16xf32>
      %select_n3A_432 = arith.select %gt3A_431, %broadcast_in_dim3A_429, %select_n3A_418 : vector<16xi1>, vector<16xi32>
      %select_n3A_433 = arith.select %gt3A_430, %select_n3A_421, %select_n3A_432 : vector<16xi1>, vector<16xi32>
      %select_n3A_434 = arith.select %gt3A_431, %get3A_427, %select_n3A_420 : vector<16xi1>, vector<16xf32>
      %select_n3A_435 = arith.select %gt3A_430, %select_n3A_422, %select_n3A_434 : vector<16xi1>, vector<16xf32>
      %select_n3A_436 = arith.select %gt3A_430, %broadcast_in_dim3A_429, %select_n3A_421 : vector<16xi1>, vector<16xi32>
      %select_n3A_437 = arith.select %gt3A_430, %get3A_427, %select_n3A_422 : vector<16xi1>, vector<16xf32>
      %get3A_438 = arith.constant 29 : i32
      %get3A_439 = arith.index_cast %get3A_438 : i32 to index
      %get3A_440 = arith.index_cast %mul3A_10 : i32 to index
      %get3A_441 = tpu.vector_load %arg6[%get3A_439, %get3A_440] {strides = array<i32>} : memref<64x1024xf32, #tpu.memory_space<vmem>>, vector<1x16xf32>,
      %get3A_442 = vector.shape_cast %get3A_441 : vector<1x16xf32> to vector<16xf32>
      %broadcast_in_dim3A_443 = arith.constant 29 : i32
      %broadcast_in_dim3A_444 = vector.broadcast %broadcast_in_dim3A_443 : i32 to vector<16xi32>
      %gt3A_445 = arith.cmpf ogt, %get3A_442, %select_n3A_437 : vector<16xf32>
      %gt3A_446 = arith.cmpf ogt, %get3A_442, %select_n3A_435 : vector<16xf32>
      %select_n3A_447 = arith.select %gt3A_446, %broadcast_in_dim3A_444, %select_n3A_433 : vector<16xi1>, vector<16xi32>
      %select_n3A_448 = arith.select %gt3A_445, %select_n3A_436, %select_n3A_447 : vector<16xi1>, vector<16xi32>
      %select_n3A_449 = arith.select %gt3A_446, %get3A_442, %select_n3A_435 : vector<16xi1>, vector<16xf32>
      %select_n3A_450 = arith.select %gt3A_445, %select_n3A_437, %select_n3A_449 : vector<16xi1>, vector<16xf32>
      %select_n3A_451 = arith.select %gt3A_445, %broadcast_in_dim3A_444, %select_n3A_436 : vector<16xi1>, vector<16xi32>
      %select_n3A_452 = arith.select %gt3A_445, %get3A_442, %select_n3A_437 : vector<16xi1>, vector<16xf32>
      %get3A_453 = arith.constant 30 : i32
      %get3A_454 = arith.index_cast %get3A_453 : i32 to index
      %get3A_455 = arith.index_cast %mul3A_10 : i32 to index
      %get3A_456 = tpu.vector_load %arg6[%get3A_454, %get3A_455] {strides = array<i32>} : memref<64x1024xf32, #tpu.memory_space<vmem>>, vector<1x16xf32>,
      %get3A_457 = vector.shape_cast %get3A_456 : vector<1x16xf32> to vector<16xf32>
      %broadcast_in_dim3A_458 = arith.constant 30 : i32
      %broadcast_in_dim3A_459 = vector.broadcast %broadcast_in_dim3A_458 : i32 to vector<16xi32>
      %gt3A_460 = arith.cmpf ogt, %get3A_457, %select_n3A_452 : vector<16xf32>
      %gt3A_461 = arith.cmpf ogt, %get3A_457, %select_n3A_450 : vector<16xf32>
      %select_n3A_462 = arith.select %gt3A_461, %broadcast_in_dim3A_459, %select_n3A_448 : vector<16xi1>, vector<16xi32>
      %select_n3A_463 = arith.select %gt3A_460, %select_n3A_451, %select_n3A_462 : vector<16xi1>, vector<16xi32>
      %select_n3A_464 = arith.select %gt3A_461, %get3A_457, %select_n3A_450 : vector<16xi1>, vector<16xf32>
      %select_n3A_465 = arith.select %gt3A_460, %select_n3A_452, %select_n3A_464 : vector<16xi1>, vector<16xf32>
      %select_n3A_466 = arith.select %gt3A_460, %broadcast_in_dim3A_459, %select_n3A_451 : vector<16xi1>, vector<16xi32>
      %select_n3A_467 = arith.select %gt3A_460, %get3A_457, %select_n3A_452 : vector<16xi1>, vector<16xf32>
      %get3A_468 = arith.constant 31 : i32
      %get3A_469 = arith.index_cast %get3A_468 : i32 to index
      %get3A_470 = arith.index_cast %mul3A_10 : i32 to index
      %get3A_471 = tpu.vector_load %arg6[%get3A_469, %get3A_470] {strides = array<i32>} : memref<64x1024xf32, #tpu.memory_space<vmem>>, vector<1x16xf32>,
      %get3A_472 = vector.shape_cast %get3A_471 : vector<1x16xf32> to vector<16xf32>
      %broadcast_in_dim3A_473 = arith.constant 31 : i32
      %broadcast_in_dim3A_474 = vector.broadcast %broadcast_in_dim3A_473 : i32 to vector<16xi32>
      %gt3A_475 = arith.cmpf ogt, %get3A_472, %select_n3A_467 : vector<16xf32>
      %gt3A_476 = arith.cmpf ogt, %get3A_472, %select_n3A_465 : vector<16xf32>
      %select_n3A_477 = arith.select %gt3A_476, %broadcast_in_dim3A_474, %select_n3A_463 : vector<16xi1>, vector<16xi32>
      %select_n3A_478 = arith.select %gt3A_475, %select_n3A_466, %select_n3A_477 : vector<16xi1>, vector<16xi32>
      %select_n3A_479 = arith.select %gt3A_476, %get3A_472, %select_n3A_465 : vector<16xi1>, vector<16xf32>
      %select_n3A_480 = arith.select %gt3A_475, %select_n3A_467, %select_n3A_479 : vector<16xi1>, vector<16xf32>
      %select_n3A_481 = arith.select %gt3A_475, %broadcast_in_dim3A_474, %select_n3A_466 : vector<16xi1>, vector<16xi32>
      %select_n3A_482 = arith.select %gt3A_475, %get3A_472, %select_n3A_467 : vector<16xi1>, vector<16xf32>
      %get3A_483 = arith.constant 32 : i32
      %get3A_484 = arith.index_cast %get3A_483 : i32 to index
      %get3A_485 = arith.index_cast %mul3A_10 : i32 to index
      %get3A_486 = tpu.vector_load %arg6[%get3A_484, %get3A_485] {strides = array<i32>} : memref<64x1024xf32, #tpu.memory_space<vmem>>, vector<1x16xf32>,
      %get3A_487 = vector.shape_cast %get3A_486 : vector<1x16xf32> to vector<16xf32>
      %broadcast_in_dim3A_488 = arith.constant 32 : i32
      %broadcast_in_dim3A_489 = vector.broadcast %broadcast_in_dim3A_488 : i32 to vector<16xi32>
      %gt3A_490 = arith.cmpf ogt, %get3A_487, %select_n3A_482 : vector<16xf32>
      %gt3A_491 = arith.cmpf ogt, %get3A_487, %select_n3A_480 : vector<16xf32>
      %select_n3A_492 = arith.select %gt3A_491, %broadcast_in_dim3A_489, %select_n3A_478 : vector<16xi1>, vector<16xi32>
      %select_n3A_493 = arith.select %gt3A_490, %select_n3A_481, %select_n3A_492 : vector<16xi1>, vector<16xi32>
      %select_n3A_494 = arith.select %gt3A_491, %get3A_487, %select_n3A_480 : vector<16xi1>, vector<16xf32>
      %select_n3A_495 = arith.select %gt3A_490, %select_n3A_482, %select_n3A_494 : vector<16xi1>, vector<16xf32>
      %select_n3A_496 = arith.select %gt3A_490, %broadcast_in_dim3A_489, %select_n3A_481 : vector<16xi1>, vector<16xi32>
      %select_n3A_497 = arith.select %gt3A_490, %get3A_487, %select_n3A_482 : vector<16xi1>, vector<16xf32>
      %get3A_498 = arith.constant 33 : i32
      %get3A_499 = arith.index_cast %get3A_498 : i32 to index
      %get3A_500 = arith.index_cast %mul3A_10 : i32 to index
      %get3A_501 = tpu.vector_load %arg6[%get3A_499, %get3A_500] {strides = array<i32>} : memref<64x1024xf32, #tpu.memory_space<vmem>>, vector<1x16xf32>,
      %get3A_502 = vector.shape_cast %get3A_501 : vector<1x16xf32> to vector<16xf32>
      %broadcast_in_dim3A_503 = arith.constant 33 : i32
      %broadcast_in_dim3A_504 = vector.broadcast %broadcast_in_dim3A_503 : i32 to vector<16xi32>
      %gt3A_505 = arith.cmpf ogt, %get3A_502, %select_n3A_497 : vector<16xf32>
      %gt3A_506 = arith.cmpf ogt, %get3A_502, %select_n3A_495 : vector<16xf32>
      %select_n3A_507 = arith.select %gt3A_506, %broadcast_in_dim3A_504, %select_n3A_493 : vector<16xi1>, vector<16xi32>
      %select_n3A_508 = arith.select %gt3A_505, %select_n3A_496, %select_n3A_507 : vector<16xi1>, vector<16xi32>
      %select_n3A_509 = arith.select %gt3A_506, %get3A_502, %select_n3A_495 : vector<16xi1>, vector<16xf32>
      %select_n3A_510 = arith.select %gt3A_505, %select_n3A_497, %select_n3A_509 : vector<16xi1>, vector<16xf32>
      %select_n3A_511 = arith.select %gt3A_505, %broadcast_in_dim3A_504, %select_n3A_496 : vector<16xi1>, vector<16xi32>
      %select_n3A_512 = arith.select %gt3A_505, %get3A_502, %select_n3A_497 : vector<16xi1>, vector<16xf32>
      %get3A_513 = arith.constant 34 : i32
      %get3A_514 = arith.index_cast %get3A_513 : i32 to index
      %get3A_515 = arith.index_cast %mul3A_10 : i32 to index
      %get3A_516 = tpu.vector_load %arg6[%get3A_514, %get3A_515] {strides = array<i32>} : memref<64x1024xf32, #tpu.memory_space<vmem>>, vector<1x16xf32>,
      %get3A_517 = vector.shape_cast %get3A_516 : vector<1x16xf32> to vector<16xf32>
      %broadcast_in_dim3A_518 = arith.constant 34 : i32
      %broadcast_in_dim3A_519 = vector.broadcast %broadcast_in_dim3A_518 : i32 to vector<16xi32>
      %gt3A_520 = arith.cmpf ogt, %get3A_517, %select_n3A_512 : vector<16xf32>
      %gt3A_521 = arith.cmpf ogt, %get3A_517, %select_n3A_510 : vector<16xf32>
      %select_n3A_522 = arith.select %gt3A_521, %broadcast_in_dim3A_519, %select_n3A_508 : vector<16xi1>, vector<16xi32>
      %select_n3A_523 = arith.select %gt3A_520, %select_n3A_511, %select_n3A_522 : vector<16xi1>, vector<16xi32>
      %select_n3A_524 = arith.select %gt3A_521, %get3A_517, %select_n3A_510 : vector<16xi1>, vector<16xf32>
      %select_n3A_525 = arith.select %gt3A_520, %select_n3A_512, %select_n3A_524 : vector<16xi1>, vector<16xf32>
      %select_n3A_526 = arith.select %gt3A_520, %broadcast_in_dim3A_519, %select_n3A_511 : vector<16xi1>, vector<16xi32>
      %select_n3A_527 = arith.select %gt3A_520, %get3A_517, %select_n3A_512 : vector<16xi1>, vector<16xf32>
      %get3A_528 = arith.constant 35 : i32
      %get3A_529 = arith.index_cast %get3A_528 : i32 to index
      %get3A_530 = arith.index_cast %mul3A_10 : i32 to index
      %get3A_531 = tpu.vector_load %arg6[%get3A_529, %get3A_530] {strides = array<i32>} : memref<64x1024xf32, #tpu.memory_space<vmem>>, vector<1x16xf32>,
      %get3A_532 = vector.shape_cast %get3A_531 : vector<1x16xf32> to vector<16xf32>
      %broadcast_in_dim3A_533 = arith.constant 35 : i32
      %broadcast_in_dim3A_534 = vector.broadcast %broadcast_in_dim3A_533 : i32 to vector<16xi32>
      %gt3A_535 = arith.cmpf ogt, %get3A_532, %select_n3A_527 : vector<16xf32>
      %gt3A_536 = arith.cmpf ogt, %get3A_532, %select_n3A_525 : vector<16xf32>
      %select_n3A_537 = arith.select %gt3A_536, %broadcast_in_dim3A_534, %select_n3A_523 : vector<16xi1>, vector<16xi32>
      %select_n3A_538 = arith.select %gt3A_535, %select_n3A_526, %select_n3A_537 : vector<16xi1>, vector<16xi32>
      %select_n3A_539 = arith.select %gt3A_536, %get3A_532, %select_n3A_525 : vector<16xi1>, vector<16xf32>
      %select_n3A_540 = arith.select %gt3A_535, %select_n3A_527, %select_n3A_539 : vector<16xi1>, vector<16xf32>
      %select_n3A_541 = arith.select %gt3A_535, %broadcast_in_dim3A_534, %select_n3A_526 : vector<16xi1>, vector<16xi32>
      %select_n3A_542 = arith.select %gt3A_535, %get3A_532, %select_n3A_527 : vector<16xi1>, vector<16xf32>
      %get3A_543 = arith.constant 36 : i32
      %get3A_544 = arith.index_cast %get3A_543 : i32 to index
      %get3A_545 = arith.index_cast %mul3A_10 : i32 to index
      %get3A_546 = tpu.vector_load %arg6[%get3A_544, %get3A_545] {strides = array<i32>} : memref<64x1024xf32, #tpu.memory_space<vmem>>, vector<1x16xf32>,
      %get3A_547 = vector.shape_cast %get3A_546 : vector<1x16xf32> to vector<16xf32>
      %broadcast_in_dim3A_548 = arith.constant 36 : i32
      %broadcast_in_dim3A_549 = vector.broadcast %broadcast_in_dim3A_548 : i32 to vector<16xi32>
      %gt3A_550 = arith.cmpf ogt, %get3A_547, %select_n3A_542 : vector<16xf32>
      %gt3A_551 = arith.cmpf ogt, %get3A_547, %select_n3A_540 : vector<16xf32>
      %select_n3A_552 = arith.select %gt3A_551, %broadcast_in_dim3A_549, %select_n3A_538 : vector<16xi1>, vector<16xi32>
      %select_n3A_553 = arith.select %gt3A_550, %select_n3A_541, %select_n3A_552 : vector<16xi1>, vector<16xi32>
      %select_n3A_554 = arith.select %gt3A_551, %get3A_547, %select_n3A_540 : vector<16xi1>, vector<16xf32>
      %select_n3A_555 = arith.select %gt3A_550, %select_n3A_542, %select_n3A_554 : vector<16xi1>, vector<16xf32>
      %select_n3A_556 = arith.select %gt3A_550, %broadcast_in_dim3A_549, %select_n3A_541 : vector<16xi1>, vector<16xi32>
      %select_n3A_557 = arith.select %gt3A_550, %get3A_547, %select_n3A_542 : vector<16xi1>, vector<16xf32>
      %get3A_558 = arith.constant 37 : i32
      %get3A_559 = arith.index_cast %get3A_558 : i32 to index
      %get3A_560 = arith.index_cast %mul3A_10 : i32 to index
      %get3A_561 = tpu.vector_load %arg6[%get3A_559, %get3A_560] {strides = array<i32>} : memref<64x1024xf32, #tpu.memory_space<vmem>>, vector<1x16xf32>,
      %get3A_562 = vector.shape_cast %get3A_561 : vector<1x16xf32> to vector<16xf32>
      %broadcast_in_dim3A_563 = arith.constant 37 : i32
      %broadcast_in_dim3A_564 = vector.broadcast %broadcast_in_dim3A_563 : i32 to vector<16xi32>
      %gt3A_565 = arith.cmpf ogt, %get3A_562, %select_n3A_557 : vector<16xf32>
      %gt3A_566 = arith.cmpf ogt, %get3A_562, %select_n3A_555 : vector<16xf32>
      %select_n3A_567 = arith.select %gt3A_566, %broadcast_in_dim3A_564, %select_n3A_553 : vector<16xi1>, vector<16xi32>
      %select_n3A_568 = arith.select %gt3A_565, %select_n3A_556, %select_n3A_567 : vector<16xi1>, vector<16xi32>
      %select_n3A_569 = arith.select %gt3A_566, %get3A_562, %select_n3A_555 : vector<16xi1>, vector<16xf32>
      %select_n3A_570 = arith.select %gt3A_565, %select_n3A_557, %select_n3A_569 : vector<16xi1>, vector<16xf32>
      %select_n3A_571 = arith.select %gt3A_565, %broadcast_in_dim3A_564, %select_n3A_556 : vector<16xi1>, vector<16xi32>
      %select_n3A_572 = arith.select %gt3A_565, %get3A_562, %select_n3A_557 : vector<16xi1>, vector<16xf32>
      %get3A_573 = arith.constant 38 : i32
      %get3A_574 = arith.index_cast %get3A_573 : i32 to index
      %get3A_575 = arith.index_cast %mul3A_10 : i32 to index
      %get3A_576 = tpu.vector_load %arg6[%get3A_574, %get3A_575] {strides = array<i32>} : memref<64x1024xf32, #tpu.memory_space<vmem>>, vector<1x16xf32>,
      %get3A_577 = vector.shape_cast %get3A_576 : vector<1x16xf32> to vector<16xf32>
      %broadcast_in_dim3A_578 = arith.constant 38 : i32
      %broadcast_in_dim3A_579 = vector.broadcast %broadcast_in_dim3A_578 : i32 to vector<16xi32>
      %gt3A_580 = arith.cmpf ogt, %get3A_577, %select_n3A_572 : vector<16xf32>
      %gt3A_581 = arith.cmpf ogt, %get3A_577, %select_n3A_570 : vector<16xf32>
      %select_n3A_582 = arith.select %gt3A_581, %broadcast_in_dim3A_579, %select_n3A_568 : vector<16xi1>, vector<16xi32>
      %select_n3A_583 = arith.select %gt3A_580, %select_n3A_571, %select_n3A_582 : vector<16xi1>, vector<16xi32>
      %select_n3A_584 = arith.select %gt3A_581, %get3A_577, %select_n3A_570 : vector<16xi1>, vector<16xf32>
      %select_n3A_585 = arith.select %gt3A_580, %select_n3A_572, %select_n3A_584 : vector<16xi1>, vector<16xf32>
      %select_n3A_586 = arith.select %gt3A_580, %broadcast_in_dim3A_579, %select_n3A_571 : vector<16xi1>, vector<16xi32>
      %select_n3A_587 = arith.select %gt3A_580, %get3A_577, %select_n3A_572 : vector<16xi1>, vector<16xf32>
      %get3A_588 = arith.constant 39 : i32
      %get3A_589 = arith.index_cast %get3A_588 : i32 to index
      %get3A_590 = arith.index_cast %mul3A_10 : i32 to index
      %get3A_591 = tpu.vector_load %arg6[%get3A_589, %get3A_590] {strides = array<i32>} : memref<64x1024xf32, #tpu.memory_space<vmem>>, vector<1x16xf32>,
      %get3A_592 = vector.shape_cast %get3A_591 : vector<1x16xf32> to vector<16xf32>
      %broadcast_in_dim3A_593 = arith.constant 39 : i32
      %broadcast_in_dim3A_594 = vector.broadcast %broadcast_in_dim3A_593 : i32 to vector<16xi32>
      %gt3A_595 = arith.cmpf ogt, %get3A_592, %select_n3A_587 : vector<16xf32>
      %gt3A_596 = arith.cmpf ogt, %get3A_592, %select_n3A_585 : vector<16xf32>
      %select_n3A_597 = arith.select %gt3A_596, %broadcast_in_dim3A_594, %select_n3A_583 : vector<16xi1>, vector<16xi32>
      %select_n3A_598 = arith.select %gt3A_595, %select_n3A_586, %select_n3A_597 : vector<16xi1>, vector<16xi32>
      %select_n3A_599 = arith.select %gt3A_596, %get3A_592, %select_n3A_585 : vector<16xi1>, vector<16xf32>
      %select_n3A_600 = arith.select %gt3A_595, %select_n3A_587, %select_n3A_599 : vector<16xi1>, vector<16xf32>
      %select_n3A_601 = arith.select %gt3A_595, %broadcast_in_dim3A_594, %select_n3A_586 : vector<16xi1>, vector<16xi32>
      %select_n3A_602 = arith.select %gt3A_595, %get3A_592, %select_n3A_587 : vector<16xi1>, vector<16xf32>
      %get3A_603 = arith.constant 40 : i32
      %get3A_604 = arith.index_cast %get3A_603 : i32 to index
      %get3A_605 = arith.index_cast %mul3A_10 : i32 to index
      %get3A_606 = tpu.vector_load %arg6[%get3A_604, %get3A_605] {strides = array<i32>} : memref<64x1024xf32, #tpu.memory_space<vmem>>, vector<1x16xf32>,
      %get3A_607 = vector.shape_cast %get3A_606 : vector<1x16xf32> to vector<16xf32>
      %broadcast_in_dim3A_608 = arith.constant 40 : i32
      %broadcast_in_dim3A_609 = vector.broadcast %broadcast_in_dim3A_608 : i32 to vector<16xi32>
      %gt3A_610 = arith.cmpf ogt, %get3A_607, %select_n3A_602 : vector<16xf32>
      %gt3A_611 = arith.cmpf ogt, %get3A_607, %select_n3A_600 : vector<16xf32>
      %select_n3A_612 = arith.select %gt3A_611, %broadcast_in_dim3A_609, %select_n3A_598 : vector<16xi1>, vector<16xi32>
      %select_n3A_613 = arith.select %gt3A_610, %select_n3A_601, %select_n3A_612 : vector<16xi1>, vector<16xi32>
      %select_n3A_614 = arith.select %gt3A_611, %get3A_607, %select_n3A_600 : vector<16xi1>, vector<16xf32>
      %select_n3A_615 = arith.select %gt3A_610, %select_n3A_602, %select_n3A_614 : vector<16xi1>, vector<16xf32>
      %select_n3A_616 = arith.select %gt3A_610, %broadcast_in_dim3A_609, %select_n3A_601 : vector<16xi1>, vector<16xi32>
      %select_n3A_617 = arith.select %gt3A_610, %get3A_607, %select_n3A_602 : vector<16xi1>, vector<16xf32>
      %get3A_618 = arith.constant 41 : i32
      %get3A_619 = arith.index_cast %get3A_618 : i32 to index
      %get3A_620 = arith.index_cast %mul3A_10 : i32 to index
      %get3A_621 = tpu.vector_load %arg6[%get3A_619, %get3A_620] {strides = array<i32>} : memref<64x1024xf32, #tpu.memory_space<vmem>>, vector<1x16xf32>,
      %get3A_622 = vector.shape_cast %get3A_621 : vector<1x16xf32> to vector<16xf32>
      %broadcast_in_dim3A_623 = arith.constant 41 : i32
      %broadcast_in_dim3A_624 = vector.broadcast %broadcast_in_dim3A_623 : i32 to vector<16xi32>
      %gt3A_625 = arith.cmpf ogt, %get3A_622, %select_n3A_617 : vector<16xf32>
      %gt3A_626 = arith.cmpf ogt, %get3A_622, %select_n3A_615 : vector<16xf32>
      %select_n3A_627 = arith.select %gt3A_626, %broadcast_in_dim3A_624, %select_n3A_613 : vector<16xi1>, vector<16xi32>
      %select_n3A_628 = arith.select %gt3A_625, %select_n3A_616, %select_n3A_627 : vector<16xi1>, vector<16xi32>
      %select_n3A_629 = arith.select %gt3A_626, %get3A_622, %select_n3A_615 : vector<16xi1>, vector<16xf32>
      %select_n3A_630 = arith.select %gt3A_625, %select_n3A_617, %select_n3A_629 : vector<16xi1>, vector<16xf32>
      %select_n3A_631 = arith.select %gt3A_625, %broadcast_in_dim3A_624, %select_n3A_616 : vector<16xi1>, vector<16xi32>
      %select_n3A_632 = arith.select %gt3A_625, %get3A_622, %select_n3A_617 : vector<16xi1>, vector<16xf32>
      %get3A_633 = arith.constant 42 : i32
      %get3A_634 = arith.index_cast %get3A_633 : i32 to index
      %get3A_635 = arith.index_cast %mul3A_10 : i32 to index
      %get3A_636 = tpu.vector_load %arg6[%get3A_634, %get3A_635] {strides = array<i32>} : memref<64x1024xf32, #tpu.memory_space<vmem>>, vector<1x16xf32>,
      %get3A_637 = vector.shape_cast %get3A_636 : vector<1x16xf32> to vector<16xf32>
      %broadcast_in_dim3A_638 = arith.constant 42 : i32
      %broadcast_in_dim3A_639 = vector.broadcast %broadcast_in_dim3A_638 : i32 to vector<16xi32>
      %gt3A_640 = arith.cmpf ogt, %get3A_637, %select_n3A_632 : vector<16xf32>
      %gt3A_641 = arith.cmpf ogt, %get3A_637, %select_n3A_630 : vector<16xf32>
      %select_n3A_642 = arith.select %gt3A_641, %broadcast_in_dim3A_639, %select_n3A_628 : vector<16xi1>, vector<16xi32>
      %select_n3A_643 = arith.select %gt3A_640, %select_n3A_631, %select_n3A_642 : vector<16xi1>, vector<16xi32>
      %select_n3A_644 = arith.select %gt3A_641, %get3A_637, %select_n3A_630 : vector<16xi1>, vector<16xf32>
      %select_n3A_645 = arith.select %gt3A_640, %select_n3A_632, %select_n3A_644 : vector<16xi1>, vector<16xf32>
      %select_n3A_646 = arith.select %gt3A_640, %broadcast_in_dim3A_639, %select_n3A_631 : vector<16xi1>, vector<16xi32>
      %select_n3A_647 = arith.select %gt3A_640, %get3A_637, %select_n3A_632 : vector<16xi1>, vector<16xf32>
      %get3A_648 = arith.constant 43 : i32
      %get3A_649 = arith.index_cast %get3A_648 : i32 to index
      %get3A_650 = arith.index_cast %mul3A_10 : i32 to index
      %get3A_651 = tpu.vector_load %arg6[%get3A_649, %get3A_650] {strides = array<i32>} : memref<64x1024xf32, #tpu.memory_space<vmem>>, vector<1x16xf32>,
      %get3A_652 = vector.shape_cast %get3A_651 : vector<1x16xf32> to vector<16xf32>
      %broadcast_in_dim3A_653 = arith.constant 43 : i32
      %broadcast_in_dim3A_654 = vector.broadcast %broadcast_in_dim3A_653 : i32 to vector<16xi32>
      %gt3A_655 = arith.cmpf ogt, %get3A_652, %select_n3A_647 : vector<16xf32>
      %gt3A_656 = arith.cmpf ogt, %get3A_652, %select_n3A_645 : vector<16xf32>
      %select_n3A_657 = arith.select %gt3A_656, %broadcast_in_dim3A_654, %select_n3A_643 : vector<16xi1>, vector<16xi32>
      %select_n3A_658 = arith.select %gt3A_655, %select_n3A_646, %select_n3A_657 : vector<16xi1>, vector<16xi32>
      %select_n3A_659 = arith.select %gt3A_656, %get3A_652, %select_n3A_645 : vector<16xi1>, vector<16xf32>
      %select_n3A_660 = arith.select %gt3A_655, %select_n3A_647, %select_n3A_659 : vector<16xi1>, vector<16xf32>
      %select_n3A_661 = arith.select %gt3A_655, %broadcast_in_dim3A_654, %select_n3A_646 : vector<16xi1>, vector<16xi32>
      %select_n3A_662 = arith.select %gt3A_655, %get3A_652, %select_n3A_647 : vector<16xi1>, vector<16xf32>
      %get3A_663 = arith.constant 44 : i32
      %get3A_664 = arith.index_cast %get3A_663 : i32 to index
      %get3A_665 = arith.index_cast %mul3A_10 : i32 to index
      %get3A_666 = tpu.vector_load %arg6[%get3A_664, %get3A_665] {strides = array<i32>} : memref<64x1024xf32, #tpu.memory_space<vmem>>, vector<1x16xf32>,
      %get3A_667 = vector.shape_cast %get3A_666 : vector<1x16xf32> to vector<16xf32>
      %broadcast_in_dim3A_668 = arith.constant 44 : i32
      %broadcast_in_dim3A_669 = vector.broadcast %broadcast_in_dim3A_668 : i32 to vector<16xi32>
      %gt3A_670 = arith.cmpf ogt, %get3A_667, %select_n3A_662 : vector<16xf32>
      %gt3A_671 = arith.cmpf ogt, %get3A_667, %select_n3A_660 : vector<16xf32>
      %select_n3A_672 = arith.select %gt3A_671, %broadcast_in_dim3A_669, %select_n3A_658 : vector<16xi1>, vector<16xi32>
      %select_n3A_673 = arith.select %gt3A_670, %select_n3A_661, %select_n3A_672 : vector<16xi1>, vector<16xi32>
      %select_n3A_674 = arith.select %gt3A_671, %get3A_667, %select_n3A_660 : vector<16xi1>, vector<16xf32>
      %select_n3A_675 = arith.select %gt3A_670, %select_n3A_662, %select_n3A_674 : vector<16xi1>, vector<16xf32>
      %select_n3A_676 = arith.select %gt3A_670, %broadcast_in_dim3A_669, %select_n3A_661 : vector<16xi1>, vector<16xi32>
      %select_n3A_677 = arith.select %gt3A_670, %get3A_667, %select_n3A_662 : vector<16xi1>, vector<16xf32>
      %get3A_678 = arith.constant 45 : i32
      %get3A_679 = arith.index_cast %get3A_678 : i32 to index
      %get3A_680 = arith.index_cast %mul3A_10 : i32 to index
      %get3A_681 = tpu.vector_load %arg6[%get3A_679, %get3A_680] {strides = array<i32>} : memref<64x1024xf32, #tpu.memory_space<vmem>>, vector<1x16xf32>,
      %get3A_682 = vector.shape_cast %get3A_681 : vector<1x16xf32> to vector<16xf32>
      %broadcast_in_dim3A_683 = arith.constant 45 : i32
      %broadcast_in_dim3A_684 = vector.broadcast %broadcast_in_dim3A_683 : i32 to vector<16xi32>
      %gt3A_685 = arith.cmpf ogt, %get3A_682, %select_n3A_677 : vector<16xf32>
      %gt3A_686 = arith.cmpf ogt, %get3A_682, %select_n3A_675 : vector<16xf32>
      %select_n3A_687 = arith.select %gt3A_686, %broadcast_in_dim3A_684, %select_n3A_673 : vector<16xi1>, vector<16xi32>
      %select_n3A_688 = arith.select %gt3A_685, %select_n3A_676, %select_n3A_687 : vector<16xi1>, vector<16xi32>
      %select_n3A_689 = arith.select %gt3A_686, %get3A_682, %select_n3A_675 : vector<16xi1>, vector<16xf32>
      %select_n3A_690 = arith.select %gt3A_685, %select_n3A_677, %select_n3A_689 : vector<16xi1>, vector<16xf32>
      %select_n3A_691 = arith.select %gt3A_685, %broadcast_in_dim3A_684, %select_n3A_676 : vector<16xi1>, vector<16xi32>
      %select_n3A_692 = arith.select %gt3A_685, %get3A_682, %select_n3A_677 : vector<16xi1>, vector<16xf32>
      %get3A_693 = arith.constant 46 : i32
      %get3A_694 = arith.index_cast %get3A_693 : i32 to index
      %get3A_695 = arith.index_cast %mul3A_10 : i32 to index
      %get3A_696 = tpu.vector_load %arg6[%get3A_694, %get3A_695] {strides = array<i32>} : memref<64x1024xf32, #tpu.memory_space<vmem>>, vector<1x16xf32>,
      %get3A_697 = vector.shape_cast %get3A_696 : vector<1x16xf32> to vector<16xf32>
      %broadcast_in_dim3A_698 = arith.constant 46 : i32
      %broadcast_in_dim3A_699 = vector.broadcast %broadcast_in_dim3A_698 : i32 to vector<16xi32>
      %gt3A_700 = arith.cmpf ogt, %get3A_697, %select_n3A_692 : vector<16xf32>
      %gt3A_701 = arith.cmpf ogt, %get3A_697, %select_n3A_690 : vector<16xf32>
      %select_n3A_702 = arith.select %gt3A_701, %broadcast_in_dim3A_699, %select_n3A_688 : vector<16xi1>, vector<16xi32>
      %select_n3A_703 = arith.select %gt3A_700, %select_n3A_691, %select_n3A_702 : vector<16xi1>, vector<16xi32>
      %select_n3A_704 = arith.select %gt3A_701, %get3A_697, %select_n3A_690 : vector<16xi1>, vector<16xf32>
      %select_n3A_705 = arith.select %gt3A_700, %select_n3A_692, %select_n3A_704 : vector<16xi1>, vector<16xf32>
      %select_n3A_706 = arith.select %gt3A_700, %broadcast_in_dim3A_699, %select_n3A_691 : vector<16xi1>, vector<16xi32>
      %select_n3A_707 = arith.select %gt3A_700, %get3A_697, %select_n3A_692 : vector<16xi1>, vector<16xf32>
      %get3A_708 = arith.constant 47 : i32
      %get3A_709 = arith.index_cast %get3A_708 : i32 to index
      %get3A_710 = arith.index_cast %mul3A_10 : i32 to index
      %get3A_711 = tpu.vector_load %arg6[%get3A_709, %get3A_710] {strides = array<i32>} : memref<64x1024xf32, #tpu.memory_space<vmem>>, vector<1x16xf32>,
      %get3A_712 = vector.shape_cast %get3A_711 : vector<1x16xf32> to vector<16xf32>
      %broadcast_in_dim3A_713 = arith.constant 47 : i32
      %broadcast_in_dim3A_714 = vector.broadcast %broadcast_in_dim3A_713 : i32 to vector<16xi32>
      %gt3A_715 = arith.cmpf ogt, %get3A_712, %select_n3A_707 : vector<16xf32>
      %gt3A_716 = arith.cmpf ogt, %get3A_712, %select_n3A_705 : vector<16xf32>
      %select_n3A_717 = arith.select %gt3A_716, %broadcast_in_dim3A_714, %select_n3A_703 : vector<16xi1>, vector<16xi32>
      %select_n3A_718 = arith.select %gt3A_715, %select_n3A_706, %select_n3A_717 : vector<16xi1>, vector<16xi32>
      %select_n3A_719 = arith.select %gt3A_716, %get3A_712, %select_n3A_705 : vector<16xi1>, vector<16xf32>
      %select_n3A_720 = arith.select %gt3A_715, %select_n3A_707, %select_n3A_719 : vector<16xi1>, vector<16xf32>
      %select_n3A_721 = arith.select %gt3A_715, %broadcast_in_dim3A_714, %select_n3A_706 : vector<16xi1>, vector<16xi32>
      %select_n3A_722 = arith.select %gt3A_715, %get3A_712, %select_n3A_707 : vector<16xi1>, vector<16xf32>
      %get3A_723 = arith.constant 48 : i32
      %get3A_724 = arith.index_cast %get3A_723 : i32 to index
      %get3A_725 = arith.index_cast %mul3A_10 : i32 to index
      %get3A_726 = tpu.vector_load %arg6[%get3A_724, %get3A_725] {strides = array<i32>} : memref<64x1024xf32, #tpu.memory_space<vmem>>, vector<1x16xf32>,
      %get3A_727 = vector.shape_cast %get3A_726 : vector<1x16xf32> to vector<16xf32>
      %broadcast_in_dim3A_728 = arith.constant 48 : i32
      %broadcast_in_dim3A_729 = vector.broadcast %broadcast_in_dim3A_728 : i32 to vector<16xi32>
      %gt3A_730 = arith.cmpf ogt, %get3A_727, %select_n3A_722 : vector<16xf32>
      %gt3A_731 = arith.cmpf ogt, %get3A_727, %select_n3A_720 : vector<16xf32>
      %select_n3A_732 = arith.select %gt3A_731, %broadcast_in_dim3A_729, %select_n3A_718 : vector<16xi1>, vector<16xi32>
      %select_n3A_733 = arith.select %gt3A_730, %select_n3A_721, %select_n3A_732 : vector<16xi1>, vector<16xi32>
      %select_n3A_734 = arith.select %gt3A_731, %get3A_727, %select_n3A_720 : vector<16xi1>, vector<16xf32>
      %select_n3A_735 = arith.select %gt3A_730, %select_n3A_722, %select_n3A_734 : vector<16xi1>, vector<16xf32>
      %select_n3A_736 = arith.select %gt3A_730, %broadcast_in_dim3A_729, %select_n3A_721 : vector<16xi1>, vector<16xi32>
      %select_n3A_737 = arith.select %gt3A_730, %get3A_727, %select_n3A_722 : vector<16xi1>, vector<16xf32>
      %get3A_738 = arith.constant 49 : i32
      %get3A_739 = arith.index_cast %get3A_738 : i32 to index
      %get3A_740 = arith.index_cast %mul3A_10 : i32 to index
      %get3A_741 = tpu.vector_load %arg6[%get3A_739, %get3A_740] {strides = array<i32>} : memref<64x1024xf32, #tpu.memory_space<vmem>>, vector<1x16xf32>,
      %get3A_742 = vector.shape_cast %get3A_741 : vector<1x16xf32> to vector<16xf32>
      %broadcast_in_dim3A_743 = arith.constant 49 : i32
      %broadcast_in_dim3A_744 = vector.broadcast %broadcast_in_dim3A_743 : i32 to vector<16xi32>
      %gt3A_745 = arith.cmpf ogt, %get3A_742, %select_n3A_737 : vector<16xf32>
      %gt3A_746 = arith.cmpf ogt, %get3A_742, %select_n3A_735 : vector<16xf32>
      %select_n3A_747 = arith.select %gt3A_746, %broadcast_in_dim3A_744, %select_n3A_733 : vector<16xi1>, vector<16xi32>
      %select_n3A_748 = arith.select %gt3A_745, %select_n3A_736, %select_n3A_747 : vector<16xi1>, vector<16xi32>
      %select_n3A_749 = arith.select %gt3A_746, %get3A_742, %select_n3A_735 : vector<16xi1>, vector<16xf32>
      %select_n3A_750 = arith.select %gt3A_745, %select_n3A_737, %select_n3A_749 : vector<16xi1>, vector<16xf32>
      %select_n3A_751 = arith.select %gt3A_745, %broadcast_in_dim3A_744, %select_n3A_736 : vector<16xi1>, vector<16xi32>
      %select_n3A_752 = arith.select %gt3A_745, %get3A_742, %select_n3A_737 : vector<16xi1>, vector<16xf32>
      %get3A_753 = arith.constant 50 : i32
      %get3A_754 = arith.index_cast %get3A_753 : i32 to index
      %get3A_755 = arith.index_cast %mul3A_10 : i32 to index
      %get3A_756 = tpu.vector_load %arg6[%get3A_754, %get3A_755] {strides = array<i32>} : memref<64x1024xf32, #tpu.memory_space<vmem>>, vector<1x16xf32>,
      %get3A_757 = vector.shape_cast %get3A_756 : vector<1x16xf32> to vector<16xf32>
      %broadcast_in_dim3A_758 = arith.constant 50 : i32
      %broadcast_in_dim3A_759 = vector.broadcast %broadcast_in_dim3A_758 : i32 to vector<16xi32>
      %gt3A_760 = arith.cmpf ogt, %get3A_757, %select_n3A_752 : vector<16xf32>
      %gt3A_761 = arith.cmpf ogt, %get3A_757, %select_n3A_750 : vector<16xf32>
      %select_n3A_762 = arith.select %gt3A_761, %broadcast_in_dim3A_759, %select_n3A_748 : vector<16xi1>, vector<16xi32>
      %select_n3A_763 = arith.select %gt3A_760, %select_n3A_751, %select_n3A_762 : vector<16xi1>, vector<16xi32>
      %select_n3A_764 = arith.select %gt3A_761, %get3A_757, %select_n3A_750 : vector<16xi1>, vector<16xf32>
      %select_n3A_765 = arith.select %gt3A_760, %select_n3A_752, %select_n3A_764 : vector<16xi1>, vector<16xf32>
      %select_n3A_766 = arith.select %gt3A_760, %broadcast_in_dim3A_759, %select_n3A_751 : vector<16xi1>, vector<16xi32>
      %select_n3A_767 = arith.select %gt3A_760, %get3A_757, %select_n3A_752 : vector<16xi1>, vector<16xf32>
      %get3A_768 = arith.constant 51 : i32
      %get3A_769 = arith.index_cast %get3A_768 : i32 to index
      %get3A_770 = arith.index_cast %mul3A_10 : i32 to index
      %get3A_771 = tpu.vector_load %arg6[%get3A_769, %get3A_770] {strides = array<i32>} : memref<64x1024xf32, #tpu.memory_space<vmem>>, vector<1x16xf32>,
      %get3A_772 = vector.shape_cast %get3A_771 : vector<1x16xf32> to vector<16xf32>
      %broadcast_in_dim3A_773 = arith.constant 51 : i32
      %broadcast_in_dim3A_774 = vector.broadcast %broadcast_in_dim3A_773 : i32 to vector<16xi32>
      %gt3A_775 = arith.cmpf ogt, %get3A_772, %select_n3A_767 : vector<16xf32>
      %gt3A_776 = arith.cmpf ogt, %get3A_772, %select_n3A_765 : vector<16xf32>
      %select_n3A_777 = arith.select %gt3A_776, %broadcast_in_dim3A_774, %select_n3A_763 : vector<16xi1>, vector<16xi32>
      %select_n3A_778 = arith.select %gt3A_775, %select_n3A_766, %select_n3A_777 : vector<16xi1>, vector<16xi32>
      %select_n3A_779 = arith.select %gt3A_776, %get3A_772, %select_n3A_765 : vector<16xi1>, vector<16xf32>
      %select_n3A_780 = arith.select %gt3A_775, %select_n3A_767, %select_n3A_779 : vector<16xi1>, vector<16xf32>
      %select_n3A_781 = arith.select %gt3A_775, %broadcast_in_dim3A_774, %select_n3A_766 : vector<16xi1>, vector<16xi32>
      %select_n3A_782 = arith.select %gt3A_775, %get3A_772, %select_n3A_767 : vector<16xi1>, vector<16xf32>
      %get3A_783 = arith.constant 52 : i32
      %get3A_784 = arith.index_cast %get3A_783 : i32 to index
      %get3A_785 = arith.index_cast %mul3A_10 : i32 to index
      %get3A_786 = tpu.vector_load %arg6[%get3A_784, %get3A_785] {strides = array<i32>} : memref<64x1024xf32, #tpu.memory_space<vmem>>, vector<1x16xf32>,
      %get3A_787 = vector.shape_cast %get3A_786 : vector<1x16xf32> to vector<16xf32>
      %broadcast_in_dim3A_788 = arith.constant 52 : i32
      %broadcast_in_dim3A_789 = vector.broadcast %broadcast_in_dim3A_788 : i32 to vector<16xi32>
      %gt3A_790 = arith.cmpf ogt, %get3A_787, %select_n3A_782 : vector<16xf32>
      %gt3A_791 = arith.cmpf ogt, %get3A_787, %select_n3A_780 : vector<16xf32>
      %select_n3A_792 = arith.select %gt3A_791, %broadcast_in_dim3A_789, %select_n3A_778 : vector<16xi1>, vector<16xi32>
      %select_n3A_793 = arith.select %gt3A_790, %select_n3A_781, %select_n3A_792 : vector<16xi1>, vector<16xi32>
      %select_n3A_794 = arith.select %gt3A_791, %get3A_787, %select_n3A_780 : vector<16xi1>, vector<16xf32>
      %select_n3A_795 = arith.select %gt3A_790, %select_n3A_782, %select_n3A_794 : vector<16xi1>, vector<16xf32>
      %select_n3A_796 = arith.select %gt3A_790, %broadcast_in_dim3A_789, %select_n3A_781 : vector<16xi1>, vector<16xi32>
      %select_n3A_797 = arith.select %gt3A_790, %get3A_787, %select_n3A_782 : vector<16xi1>, vector<16xf32>
      %get3A_798 = arith.constant 53 : i32
      %get3A_799 = arith.index_cast %get3A_798 : i32 to index
      %get3A_800 = arith.index_cast %mul3A_10 : i32 to index
      %get3A_801 = tpu.vector_load %arg6[%get3A_799, %get3A_800] {strides = array<i32>} : memref<64x1024xf32, #tpu.memory_space<vmem>>, vector<1x16xf32>,
      %get3A_802 = vector.shape_cast %get3A_801 : vector<1x16xf32> to vector<16xf32>
      %broadcast_in_dim3A_803 = arith.constant 53 : i32
      %broadcast_in_dim3A_804 = vector.broadcast %broadcast_in_dim3A_803 : i32 to vector<16xi32>
      %gt3A_805 = arith.cmpf ogt, %get3A_802, %select_n3A_797 : vector<16xf32>
      %gt3A_806 = arith.cmpf ogt, %get3A_802, %select_n3A_795 : vector<16xf32>
      %select_n3A_807 = arith.select %gt3A_806, %broadcast_in_dim3A_804, %select_n3A_793 : vector<16xi1>, vector<16xi32>
      %select_n3A_808 = arith.select %gt3A_805, %select_n3A_796, %select_n3A_807 : vector<16xi1>, vector<16xi32>
      %select_n3A_809 = arith.select %gt3A_806, %get3A_802, %select_n3A_795 : vector<16xi1>, vector<16xf32>
      %select_n3A_810 = arith.select %gt3A_805, %select_n3A_797, %select_n3A_809 : vector<16xi1>, vector<16xf32>
      %select_n3A_811 = arith.select %gt3A_805, %broadcast_in_dim3A_804, %select_n3A_796 : vector<16xi1>, vector<16xi32>
      %select_n3A_812 = arith.select %gt3A_805, %get3A_802, %select_n3A_797 : vector<16xi1>, vector<16xf32>
      %get3A_813 = arith.constant 54 : i32
      %get3A_814 = arith.index_cast %get3A_813 : i32 to index
      %get3A_815 = arith.index_cast %mul3A_10 : i32 to index
      %get3A_816 = tpu.vector_load %arg6[%get3A_814, %get3A_815] {strides = array<i32>} : memref<64x1024xf32, #tpu.memory_space<vmem>>, vector<1x16xf32>,
      %get3A_817 = vector.shape_cast %get3A_816 : vector<1x16xf32> to vector<16xf32>
      %broadcast_in_dim3A_818 = arith.constant 54 : i32
      %broadcast_in_dim3A_819 = vector.broadcast %broadcast_in_dim3A_818 : i32 to vector<16xi32>
      %gt3A_820 = arith.cmpf ogt, %get3A_817, %select_n3A_812 : vector<16xf32>
      %gt3A_821 = arith.cmpf ogt, %get3A_817, %select_n3A_810 : vector<16xf32>
      %select_n3A_822 = arith.select %gt3A_821, %broadcast_in_dim3A_819, %select_n3A_808 : vector<16xi1>, vector<16xi32>
      %select_n3A_823 = arith.select %gt3A_820, %select_n3A_811, %select_n3A_822 : vector<16xi1>, vector<16xi32>
      %select_n3A_824 = arith.select %gt3A_821, %get3A_817, %select_n3A_810 : vector<16xi1>, vector<16xf32>
      %select_n3A_825 = arith.select %gt3A_820, %select_n3A_812, %select_n3A_824 : vector<16xi1>, vector<16xf32>
      %select_n3A_826 = arith.select %gt3A_820, %broadcast_in_dim3A_819, %select_n3A_811 : vector<16xi1>, vector<16xi32>
      %select_n3A_827 = arith.select %gt3A_820, %get3A_817, %select_n3A_812 : vector<16xi1>, vector<16xf32>
      %get3A_828 = arith.constant 55 : i32
      %get3A_829 = arith.index_cast %get3A_828 : i32 to index
      %get3A_830 = arith.index_cast %mul3A_10 : i32 to index
      %get3A_831 = tpu.vector_load %arg6[%get3A_829, %get3A_830] {strides = array<i32>} : memref<64x1024xf32, #tpu.memory_space<vmem>>, vector<1x16xf32>,
      %get3A_832 = vector.shape_cast %get3A_831 : vector<1x16xf32> to vector<16xf32>
      %broadcast_in_dim3A_833 = arith.constant 55 : i32
      %broadcast_in_dim3A_834 = vector.broadcast %broadcast_in_dim3A_833 : i32 to vector<16xi32>
      %gt3A_835 = arith.cmpf ogt, %get3A_832, %select_n3A_827 : vector<16xf32>
      %gt3A_836 = arith.cmpf ogt, %get3A_832, %select_n3A_825 : vector<16xf32>
      %select_n3A_837 = arith.select %gt3A_836, %broadcast_in_dim3A_834, %select_n3A_823 : vector<16xi1>, vector<16xi32>
      %select_n3A_838 = arith.select %gt3A_835, %select_n3A_826, %select_n3A_837 : vector<16xi1>, vector<16xi32>
      %select_n3A_839 = arith.select %gt3A_836, %get3A_832, %select_n3A_825 : vector<16xi1>, vector<16xf32>
      %select_n3A_840 = arith.select %gt3A_835, %select_n3A_827, %select_n3A_839 : vector<16xi1>, vector<16xf32>
      %select_n3A_841 = arith.select %gt3A_835, %broadcast_in_dim3A_834, %select_n3A_826 : vector<16xi1>, vector<16xi32>
      %select_n3A_842 = arith.select %gt3A_835, %get3A_832, %select_n3A_827 : vector<16xi1>, vector<16xf32>
      %get3A_843 = arith.constant 56 : i32
      %get3A_844 = arith.index_cast %get3A_843 : i32 to index
      %get3A_845 = arith.index_cast %mul3A_10 : i32 to index
      %get3A_846 = tpu.vector_load %arg6[%get3A_844, %get3A_845] {strides = array<i32>} : memref<64x1024xf32, #tpu.memory_space<vmem>>, vector<1x16xf32>,
      %get3A_847 = vector.shape_cast %get3A_846 : vector<1x16xf32> to vector<16xf32>
      %broadcast_in_dim3A_848 = arith.constant 56 : i32
      %broadcast_in_dim3A_849 = vector.broadcast %broadcast_in_dim3A_848 : i32 to vector<16xi32>
      %gt3A_850 = arith.cmpf ogt, %get3A_847, %select_n3A_842 : vector<16xf32>
      %gt3A_851 = arith.cmpf ogt, %get3A_847, %select_n3A_840 : vector<16xf32>
      %select_n3A_852 = arith.select %gt3A_851, %broadcast_in_dim3A_849, %select_n3A_838 : vector<16xi1>, vector<16xi32>
      %select_n3A_853 = arith.select %gt3A_850, %select_n3A_841, %select_n3A_852 : vector<16xi1>, vector<16xi32>
      %select_n3A_854 = arith.select %gt3A_851, %get3A_847, %select_n3A_840 : vector<16xi1>, vector<16xf32>
      %select_n3A_855 = arith.select %gt3A_850, %select_n3A_842, %select_n3A_854 : vector<16xi1>, vector<16xf32>
      %select_n3A_856 = arith.select %gt3A_850, %broadcast_in_dim3A_849, %select_n3A_841 : vector<16xi1>, vector<16xi32>
      %select_n3A_857 = arith.select %gt3A_850, %get3A_847, %select_n3A_842 : vector<16xi1>, vector<16xf32>
      %get3A_858 = arith.constant 57 : i32
      %get3A_859 = arith.index_cast %get3A_858 : i32 to index
      %get3A_860 = arith.index_cast %mul3A_10 : i32 to index
      %get3A_861 = tpu.vector_load %arg6[%get3A_859, %get3A_860] {strides = array<i32>} : memref<64x1024xf32, #tpu.memory_space<vmem>>, vector<1x16xf32>,
      %get3A_862 = vector.shape_cast %get3A_861 : vector<1x16xf32> to vector<16xf32>
      %broadcast_in_dim3A_863 = arith.constant 57 : i32
      %broadcast_in_dim3A_864 = vector.broadcast %broadcast_in_dim3A_863 : i32 to vector<16xi32>
      %gt3A_865 = arith.cmpf ogt, %get3A_862, %select_n3A_857 : vector<16xf32>
      %gt3A_866 = arith.cmpf ogt, %get3A_862, %select_n3A_855 : vector<16xf32>
      %select_n3A_867 = arith.select %gt3A_866, %broadcast_in_dim3A_864, %select_n3A_853 : vector<16xi1>, vector<16xi32>
      %select_n3A_868 = arith.select %gt3A_865, %select_n3A_856, %select_n3A_867 : vector<16xi1>, vector<16xi32>
      %select_n3A_869 = arith.select %gt3A_866, %get3A_862, %select_n3A_855 : vector<16xi1>, vector<16xf32>
      %select_n3A_870 = arith.select %gt3A_865, %select_n3A_857, %select_n3A_869 : vector<16xi1>, vector<16xf32>
      %select_n3A_871 = arith.select %gt3A_865, %broadcast_in_dim3A_864, %select_n3A_856 : vector<16xi1>, vector<16xi32>
      %select_n3A_872 = arith.select %gt3A_865, %get3A_862, %select_n3A_857 : vector<16xi1>, vector<16xf32>
      %get3A_873 = arith.constant 58 : i32
      %get3A_874 = arith.index_cast %get3A_873 : i32 to index
      %get3A_875 = arith.index_cast %mul3A_10 : i32 to index
      %get3A_876 = tpu.vector_load %arg6[%get3A_874, %get3A_875] {strides = array<i32>} : memref<64x1024xf32, #tpu.memory_space<vmem>>, vector<1x16xf32>,
      %get3A_877 = vector.shape_cast %get3A_876 : vector<1x16xf32> to vector<16xf32>
      %broadcast_in_dim3A_878 = arith.constant 58 : i32
      %broadcast_in_dim3A_879 = vector.broadcast %broadcast_in_dim3A_878 : i32 to vector<16xi32>
      %gt3A_880 = arith.cmpf ogt, %get3A_877, %select_n3A_872 : vector<16xf32>
      %gt3A_881 = arith.cmpf ogt, %get3A_877, %select_n3A_870 : vector<16xf32>
      %select_n3A_882 = arith.select %gt3A_881, %broadcast_in_dim3A_879, %select_n3A_868 : vector<16xi1>, vector<16xi32>
      %select_n3A_883 = arith.select %gt3A_880, %select_n3A_871, %select_n3A_882 : vector<16xi1>, vector<16xi32>
      %select_n3A_884 = arith.select %gt3A_881, %get3A_877, %select_n3A_870 : vector<16xi1>, vector<16xf32>
      %select_n3A_885 = arith.select %gt3A_880, %select_n3A_872, %select_n3A_884 : vector<16xi1>, vector<16xf32>
      %select_n3A_886 = arith.select %gt3A_880, %broadcast_in_dim3A_879, %select_n3A_871 : vector<16xi1>, vector<16xi32>
      %select_n3A_887 = arith.select %gt3A_880, %get3A_877, %select_n3A_872 : vector<16xi1>, vector<16xf32>
      %get3A_888 = arith.constant 59 : i32
      %get3A_889 = arith.index_cast %get3A_888 : i32 to index
      %get3A_890 = arith.index_cast %mul3A_10 : i32 to index
      %get3A_891 = tpu.vector_load %arg6[%get3A_889, %get3A_890] {strides = array<i32>} : memref<64x1024xf32, #tpu.memory_space<vmem>>, vector<1x16xf32>,
      %get3A_892 = vector.shape_cast %get3A_891 : vector<1x16xf32> to vector<16xf32>
      %broadcast_in_dim3A_893 = arith.constant 59 : i32
      %broadcast_in_dim3A_894 = vector.broadcast %broadcast_in_dim3A_893 : i32 to vector<16xi32>
      %gt3A_895 = arith.cmpf ogt, %get3A_892, %select_n3A_887 : vector<16xf32>
      %gt3A_896 = arith.cmpf ogt, %get3A_892, %select_n3A_885 : vector<16xf32>
      %select_n3A_897 = arith.select %gt3A_896, %broadcast_in_dim3A_894, %select_n3A_883 : vector<16xi1>, vector<16xi32>
      %select_n3A_898 = arith.select %gt3A_895, %select_n3A_886, %select_n3A_897 : vector<16xi1>, vector<16xi32>
      %select_n3A_899 = arith.select %gt3A_896, %get3A_892, %select_n3A_885 : vector<16xi1>, vector<16xf32>
      %select_n3A_900 = arith.select %gt3A_895, %select_n3A_887, %select_n3A_899 : vector<16xi1>, vector<16xf32>
      %select_n3A_901 = arith.select %gt3A_895, %broadcast_in_dim3A_894, %select_n3A_886 : vector<16xi1>, vector<16xi32>
      %select_n3A_902 = arith.select %gt3A_895, %get3A_892, %select_n3A_887 : vector<16xi1>, vector<16xf32>
      %get3A_903 = arith.constant 60 : i32
      %get3A_904 = arith.index_cast %get3A_903 : i32 to index
      %get3A_905 = arith.index_cast %mul3A_10 : i32 to index
      %get3A_906 = tpu.vector_load %arg6[%get3A_904, %get3A_905] {strides = array<i32>} : memref<64x1024xf32, #tpu.memory_space<vmem>>, vector<1x16xf32>,
      %get3A_907 = vector.shape_cast %get3A_906 : vector<1x16xf32> to vector<16xf32>
      %broadcast_in_dim3A_908 = arith.constant 60 : i32
      %broadcast_in_dim3A_909 = vector.broadcast %broadcast_in_dim3A_908 : i32 to vector<16xi32>
      %gt3A_910 = arith.cmpf ogt, %get3A_907, %select_n3A_902 : vector<16xf32>
      %gt3A_911 = arith.cmpf ogt, %get3A_907, %select_n3A_900 : vector<16xf32>
      %select_n3A_912 = arith.select %gt3A_911, %broadcast_in_dim3A_909, %select_n3A_898 : vector<16xi1>, vector<16xi32>
      %select_n3A_913 = arith.select %gt3A_910, %select_n3A_901, %select_n3A_912 : vector<16xi1>, vector<16xi32>
      %select_n3A_914 = arith.select %gt3A_911, %get3A_907, %select_n3A_900 : vector<16xi1>, vector<16xf32>
      %select_n3A_915 = arith.select %gt3A_910, %select_n3A_902, %select_n3A_914 : vector<16xi1>, vector<16xf32>
      %select_n3A_916 = arith.select %gt3A_910, %broadcast_in_dim3A_909, %select_n3A_901 : vector<16xi1>, vector<16xi32>
      %select_n3A_917 = arith.select %gt3A_910, %get3A_907, %select_n3A_902 : vector<16xi1>, vector<16xf32>
      %get3A_918 = arith.constant 61 : i32
      %get3A_919 = arith.index_cast %get3A_918 : i32 to index
      %get3A_920 = arith.index_cast %mul3A_10 : i32 to index
      %get3A_921 = tpu.vector_load %arg6[%get3A_919, %get3A_920] {strides = array<i32>} : memref<64x1024xf32, #tpu.memory_space<vmem>>, vector<1x16xf32>,
      %get3A_922 = vector.shape_cast %get3A_921 : vector<1x16xf32> to vector<16xf32>
      %broadcast_in_dim3A_923 = arith.constant 61 : i32
      %broadcast_in_dim3A_924 = vector.broadcast %broadcast_in_dim3A_923 : i32 to vector<16xi32>
      %gt3A_925 = arith.cmpf ogt, %get3A_922, %select_n3A_917 : vector<16xf32>
      %gt3A_926 = arith.cmpf ogt, %get3A_922, %select_n3A_915 : vector<16xf32>
      %select_n3A_927 = arith.select %gt3A_926, %broadcast_in_dim3A_924, %select_n3A_913 : vector<16xi1>, vector<16xi32>
      %select_n3A_928 = arith.select %gt3A_925, %select_n3A_916, %select_n3A_927 : vector<16xi1>, vector<16xi32>
      %select_n3A_929 = arith.select %gt3A_926, %get3A_922, %select_n3A_915 : vector<16xi1>, vector<16xf32>
      %select_n3A_930 = arith.select %gt3A_925, %select_n3A_917, %select_n3A_929 : vector<16xi1>, vector<16xf32>
      %select_n3A_931 = arith.select %gt3A_925, %broadcast_in_dim3A_924, %select_n3A_916 : vector<16xi1>, vector<16xi32>
      %select_n3A_932 = arith.select %gt3A_925, %get3A_922, %select_n3A_917 : vector<16xi1>, vector<16xf32>
      %get3A_933 = arith.constant 62 : i32
      %get3A_934 = arith.index_cast %get3A_933 : i32 to index
      %get3A_935 = arith.index_cast %mul3A_10 : i32 to index
      %get3A_936 = tpu.vector_load %arg6[%get3A_934, %get3A_935] {strides = array<i32>} : memref<64x1024xf32, #tpu.memory_space<vmem>>, vector<1x16xf32>,
      %get3A_937 = vector.shape_cast %get3A_936 : vector<1x16xf32> to vector<16xf32>
      %broadcast_in_dim3A_938 = arith.constant 62 : i32
      %broadcast_in_dim3A_939 = vector.broadcast %broadcast_in_dim3A_938 : i32 to vector<16xi32>
      %gt3A_940 = arith.cmpf ogt, %get3A_937, %select_n3A_932 : vector<16xf32>
      %gt3A_941 = arith.cmpf ogt, %get3A_937, %select_n3A_930 : vector<16xf32>
      %select_n3A_942 = arith.select %gt3A_941, %broadcast_in_dim3A_939, %select_n3A_928 : vector<16xi1>, vector<16xi32>
      %select_n3A_943 = arith.select %gt3A_940, %select_n3A_931, %select_n3A_942 : vector<16xi1>, vector<16xi32>
      %select_n3A_944 = arith.select %gt3A_941, %get3A_937, %select_n3A_930 : vector<16xi1>, vector<16xf32>
      %select_n3A_945 = arith.select %gt3A_940, %select_n3A_932, %select_n3A_944 : vector<16xi1>, vector<16xf32>
      %select_n3A_946 = arith.select %gt3A_940, %broadcast_in_dim3A_939, %select_n3A_931 : vector<16xi1>, vector<16xi32>
      %select_n3A_947 = arith.select %gt3A_940, %get3A_937, %select_n3A_932 : vector<16xi1>, vector<16xf32>
      %get3A_948 = arith.constant 63 : i32
      %get3A_949 = arith.index_cast %get3A_948 : i32 to index
      %get3A_950 = arith.index_cast %mul3A_10 : i32 to index
      %get3A_951 = tpu.vector_load %arg6[%get3A_949, %get3A_950] {strides = array<i32>} : memref<64x1024xf32, #tpu.memory_space<vmem>>, vector<1x16xf32>,
      %get3A_952 = vector.shape_cast %get3A_951 : vector<1x16xf32> to vector<16xf32>
      %broadcast_in_dim3A_953 = arith.constant 63 : i32
      %broadcast_in_dim3A_954 = vector.broadcast %broadcast_in_dim3A_953 : i32 to vector<16xi32>
      %gt3A_955 = arith.cmpf ogt, %get3A_952, %select_n3A_947 : vector<16xf32>
      %gt3A_956 = arith.cmpf ogt, %get3A_952, %select_n3A_945 : vector<16xf32>
      %select_n3A_957 = arith.select %gt3A_956, %broadcast_in_dim3A_954, %select_n3A_943 : vector<16xi1>, vector<16xi32>
      %select_n3A_958 = arith.select %gt3A_955, %select_n3A_946, %select_n3A_957 : vector<16xi1>, vector<16xi32>
      %select_n3A_959 = arith.select %gt3A_956, %get3A_952, %select_n3A_945 : vector<16xi1>, vector<16xf32>
      %select_n3A_960 = arith.select %gt3A_955, %select_n3A_947, %select_n3A_959 : vector<16xi1>, vector<16xf32>
      %select_n3A_961 = arith.select %gt3A_955, %broadcast_in_dim3A_954, %select_n3A_946 : vector<16xi1>, vector<16xi32>
      %select_n3A_962 = arith.select %gt3A_955, %get3A_952, %select_n3A_947 : vector<16xi1>, vector<16xf32>
      %broadcast_in_dim3A_963 = arith.constant 0.000000e+00 : f32
      %broadcast_in_dim3A_964 = vector.broadcast %broadcast_in_dim3A_963 : f32 to vector<16xf32>
      %get3A_965 = arith.constant 0 : i32
      %get3A_966 = arith.index_cast %get3A_965 : i32 to index
      %get3A_967 = arith.index_cast %mul3A_10 : i32 to index
      %get3A_968 = tpu.vector_load %arg6[%get3A_966, %get3A_967] {strides = array<i32>} : memref<64x1024xf32, #tpu.memory_space<vmem>>, vector<1x16xf32>,
      %get3A_969 = vector.shape_cast %get3A_968 : vector<1x16xf32> to vector<16xf32>
      %sub3A = arith.subf %get3A_969, %select_n3A_962 : vector<16xf32>
      %exp3A = math.exp %sub3A : vector<16xf32>
      %add3A_970 = arith.addf %broadcast_in_dim3A_964, %exp3A : vector<16xf32>
      %get3A_971 = arith.constant 1 : i32
      %get3A_972 = arith.index_cast %get3A_971 : i32 to index
      %get3A_973 = arith.index_cast %mul3A_10 : i32 to index
      %get3A_974 = tpu.vector_load %arg6[%get3A_972, %get3A_973] {strides = array<i32>} : memref<64x1024xf32, #tpu.memory_space<vmem>>, vector<1x16xf32>,
      %get3A_975 = vector.shape_cast %get3A_974 : vector<1x16xf32> to vector<16xf32>
      %sub3A_976 = arith.subf %get3A_975, %select_n3A_962 : vector<16xf32>
      %exp3A_977 = math.exp %sub3A_976 : vector<16xf32>
      %add3A_978 = arith.addf %add3A_970, %exp3A_977 : vector<16xf32>
      %get3A_979 = arith.constant 2 : i32
      %get3A_980 = arith.index_cast %get3A_979 : i32 to index
      %get3A_981 = arith.index_cast %mul3A_10 : i32 to index
      %get3A_982 = tpu.vector_load %arg6[%get3A_980, %get3A_981] {strides = array<i32>} : memref<64x1024xf32, #tpu.memory_space<vmem>>, vector<1x16xf32>,
      %get3A_983 = vector.shape_cast %get3A_982 : vector<1x16xf32> to vector<16xf32>
      %sub3A_984 = arith.subf %get3A_983, %select_n3A_962 : vector<16xf32>
      %exp3A_985 = math.exp %sub3A_984 : vector<16xf32>
      %add3A_986 = arith.addf %add3A_978, %exp3A_985 : vector<16xf32>
      %get3A_987 = arith.constant 3 : i32
      %get3A_988 = arith.index_cast %get3A_987 : i32 to index
      %get3A_989 = arith.index_cast %mul3A_10 : i32 to index
      %get3A_990 = tpu.vector_load %arg6[%get3A_988, %get3A_989] {strides = array<i32>} : memref<64x1024xf32, #tpu.memory_space<vmem>>, vector<1x16xf32>,
      %get3A_991 = vector.shape_cast %get3A_990 : vector<1x16xf32> to vector<16xf32>
      %sub3A_992 = arith.subf %get3A_991, %select_n3A_962 : vector<16xf32>
      %exp3A_993 = math.exp %sub3A_992 : vector<16xf32>
      %add3A_994 = arith.addf %add3A_986, %exp3A_993 : vector<16xf32>
      %get3A_995 = arith.constant 4 : i32
      %get3A_996 = arith.index_cast %get3A_995 : i32 to index
      %get3A_997 = arith.index_cast %mul3A_10 : i32 to index
      %get3A_998 = tpu.vector_load %arg6[%get3A_996, %get3A_997] {strides = array<i32>} : memref<64x1024xf32, #tpu.memory_space<vmem>>, vector<1x16xf32>,
      %get3A_999 = vector.shape_cast %get3A_998 : vector<1x16xf32> to vector<16xf32>
      %sub3A_1000 = arith.subf %get3A_999, %select_n3A_962 : vector<16xf32>
      %exp3A_1001 = math.exp %sub3A_1000 : vector<16xf32>
      %add3A_1002 = arith.addf %add3A_994, %exp3A_1001 : vector<16xf32>
      %get3A_1003 = arith.constant 5 : i32
      %get3A_1004 = arith.index_cast %get3A_1003 : i32 to index
      %get3A_1005 = arith.index_cast %mul3A_10 : i32 to index
      %get3A_1006 = tpu.vector_load %arg6[%get3A_1004, %get3A_1005] {strides = array<i32>} : memref<64x1024xf32, #tpu.memory_space<vmem>>, vector<1x16xf32>,
      %get3A_1007 = vector.shape_cast %get3A_1006 : vector<1x16xf32> to vector<16xf32>
      %sub3A_1008 = arith.subf %get3A_1007, %select_n3A_962 : vector<16xf32>
      %exp3A_1009 = math.exp %sub3A_1008 : vector<16xf32>
      %add3A_1010 = arith.addf %add3A_1002, %exp3A_1009 : vector<16xf32>
      %get3A_1011 = arith.constant 6 : i32
      %get3A_1012 = arith.index_cast %get3A_1011 : i32 to index
      %get3A_1013 = arith.index_cast %mul3A_10 : i32 to index
      %get3A_1014 = tpu.vector_load %arg6[%get3A_1012, %get3A_1013] {strides = array<i32>} : memref<64x1024xf32, #tpu.memory_space<vmem>>, vector<1x16xf32>,
      %get3A_1015 = vector.shape_cast %get3A_1014 : vector<1x16xf32> to vector<16xf32>
      %sub3A_1016 = arith.subf %get3A_1015, %select_n3A_962 : vector<16xf32>
      %exp3A_1017 = math.exp %sub3A_1016 : vector<16xf32>
      %add3A_1018 = arith.addf %add3A_1010, %exp3A_1017 : vector<16xf32>
      %get3A_1019 = arith.constant 7 : i32
      %get3A_1020 = arith.index_cast %get3A_1019 : i32 to index
      %get3A_1021 = arith.index_cast %mul3A_10 : i32 to index
      %get3A_1022 = tpu.vector_load %arg6[%get3A_1020, %get3A_1021] {strides = array<i32>} : memref<64x1024xf32, #tpu.memory_space<vmem>>, vector<1x16xf32>,
      %get3A_1023 = vector.shape_cast %get3A_1022 : vector<1x16xf32> to vector<16xf32>
      %sub3A_1024 = arith.subf %get3A_1023, %select_n3A_962 : vector<16xf32>
      %exp3A_1025 = math.exp %sub3A_1024 : vector<16xf32>
      %add3A_1026 = arith.addf %add3A_1018, %exp3A_1025 : vector<16xf32>
      %get3A_1027 = arith.constant 8 : i32
      %get3A_1028 = arith.index_cast %get3A_1027 : i32 to index
      %get3A_1029 = arith.index_cast %mul3A_10 : i32 to index
      %get3A_1030 = tpu.vector_load %arg6[%get3A_1028, %get3A_1029] {strides = array<i32>} : memref<64x1024xf32, #tpu.memory_space<vmem>>, vector<1x16xf32>,
      %get3A_1031 = vector.shape_cast %get3A_1030 : vector<1x16xf32> to vector<16xf32>
      %sub3A_1032 = arith.subf %get3A_1031, %select_n3A_962 : vector<16xf32>
      %exp3A_1033 = math.exp %sub3A_1032 : vector<16xf32>
      %add3A_1034 = arith.addf %add3A_1026, %exp3A_1033 : vector<16xf32>
      %get3A_1035 = arith.constant 9 : i32
      %get3A_1036 = arith.index_cast %get3A_1035 : i32 to index
      %get3A_1037 = arith.index_cast %mul3A_10 : i32 to index
      %get3A_1038 = tpu.vector_load %arg6[%get3A_1036, %get3A_1037] {strides = array<i32>} : memref<64x1024xf32, #tpu.memory_space<vmem>>, vector<1x16xf32>,
      %get3A_1039 = vector.shape_cast %get3A_1038 : vector<1x16xf32> to vector<16xf32>
      %sub3A_1040 = arith.subf %get3A_1039, %select_n3A_962 : vector<16xf32>
      %exp3A_1041 = math.exp %sub3A_1040 : vector<16xf32>
      %add3A_1042 = arith.addf %add3A_1034, %exp3A_1041 : vector<16xf32>
      %get3A_1043 = arith.constant 10 : i32
      %get3A_1044 = arith.index_cast %get3A_1043 : i32 to index
      %get3A_1045 = arith.index_cast %mul3A_10 : i32 to index
      %get3A_1046 = tpu.vector_load %arg6[%get3A_1044, %get3A_1045] {strides = array<i32>} : memref<64x1024xf32, #tpu.memory_space<vmem>>, vector<1x16xf32>,
      %get3A_1047 = vector.shape_cast %get3A_1046 : vector<1x16xf32> to vector<16xf32>
      %sub3A_1048 = arith.subf %get3A_1047, %select_n3A_962 : vector<16xf32>
      %exp3A_1049 = math.exp %sub3A_1048 : vector<16xf32>
      %add3A_1050 = arith.addf %add3A_1042, %exp3A_1049 : vector<16xf32>
      %get3A_1051 = arith.constant 11 : i32
      %get3A_1052 = arith.index_cast %get3A_1051 : i32 to index
      %get3A_1053 = arith.index_cast %mul3A_10 : i32 to index
      %get3A_1054 = tpu.vector_load %arg6[%get3A_1052, %get3A_1053] {strides = array<i32>} : memref<64x1024xf32, #tpu.memory_space<vmem>>, vector<1x16xf32>,
      %get3A_1055 = vector.shape_cast %get3A_1054 : vector<1x16xf32> to vector<16xf32>
      %sub3A_1056 = arith.subf %get3A_1055, %select_n3A_962 : vector<16xf32>
      %exp3A_1057 = math.exp %sub3A_1056 : vector<16xf32>
      %add3A_1058 = arith.addf %add3A_1050, %exp3A_1057 : vector<16xf32>
      %get3A_1059 = arith.constant 12 : i32
      %get3A_1060 = arith.index_cast %get3A_1059 : i32 to index
      %get3A_1061 = arith.index_cast %mul3A_10 : i32 to index
      %get3A_1062 = tpu.vector_load %arg6[%get3A_1060, %get3A_1061] {strides = array<i32>} : memref<64x1024xf32, #tpu.memory_space<vmem>>, vector<1x16xf32>,
      %get3A_1063 = vector.shape_cast %get3A_1062 : vector<1x16xf32> to vector<16xf32>
      %sub3A_1064 = arith.subf %get3A_1063, %select_n3A_962 : vector<16xf32>
      %exp3A_1065 = math.exp %sub3A_1064 : vector<16xf32>
      %add3A_1066 = arith.addf %add3A_1058, %exp3A_1065 : vector<16xf32>
      %get3A_1067 = arith.constant 13 : i32
      %get3A_1068 = arith.index_cast %get3A_1067 : i32 to index
      %get3A_1069 = arith.index_cast %mul3A_10 : i32 to index
      %get3A_1070 = tpu.vector_load %arg6[%get3A_1068, %get3A_1069] {strides = array<i32>} : memref<64x1024xf32, #tpu.memory_space<vmem>>, vector<1x16xf32>,
      %get3A_1071 = vector.shape_cast %get3A_1070 : vector<1x16xf32> to vector<16xf32>
      %sub3A_1072 = arith.subf %get3A_1071, %select_n3A_962 : vector<16xf32>
      %exp3A_1073 = math.exp %sub3A_1072 : vector<16xf32>
      %add3A_1074 = arith.addf %add3A_1066, %exp3A_1073 : vector<16xf32>
      %get3A_1075 = arith.constant 14 : i32
      %get3A_1076 = arith.index_cast %get3A_1075 : i32 to index
      %get3A_1077 = arith.index_cast %mul3A_10 : i32 to index
      %get3A_1078 = tpu.vector_load %arg6[%get3A_1076, %get3A_1077] {strides = array<i32>} : memref<64x1024xf32, #tpu.memory_space<vmem>>, vector<1x16xf32>,
      %get3A_1079 = vector.shape_cast %get3A_1078 : vector<1x16xf32> to vector<16xf32>
      %sub3A_1080 = arith.subf %get3A_1079, %select_n3A_962 : vector<16xf32>
      %exp3A_1081 = math.exp %sub3A_1080 : vector<16xf32>
      %add3A_1082 = arith.addf %add3A_1074, %exp3A_1081 : vector<16xf32>
      %get3A_1083 = arith.constant 15 : i32
      %get3A_1084 = arith.index_cast %get3A_1083 : i32 to index
      %get3A_1085 = arith.index_cast %mul3A_10 : i32 to index
      %get3A_1086 = tpu.vector_load %arg6[%get3A_1084, %get3A_1085] {strides = array<i32>} : memref<64x1024xf32, #tpu.memory_space<vmem>>, vector<1x16xf32>,
      %get3A_1087 = vector.shape_cast %get3A_1086 : vector<1x16xf32> to vector<16xf32>
      %sub3A_1088 = arith.subf %get3A_1087, %select_n3A_962 : vector<16xf32>
      %exp3A_1089 = math.exp %sub3A_1088 : vector<16xf32>
      %add3A_1090 = arith.addf %add3A_1082, %exp3A_1089 : vector<16xf32>
      %get3A_1091 = arith.constant 16 : i32
      %get3A_1092 = arith.index_cast %get3A_1091 : i32 to index
      %get3A_1093 = arith.index_cast %mul3A_10 : i32 to index
      %get3A_1094 = tpu.vector_load %arg6[%get3A_1092, %get3A_1093] {strides = array<i32>} : memref<64x1024xf32, #tpu.memory_space<vmem>>, vector<1x16xf32>,
      %get3A_1095 = vector.shape_cast %get3A_1094 : vector<1x16xf32> to vector<16xf32>
      %sub3A_1096 = arith.subf %get3A_1095, %select_n3A_962 : vector<16xf32>
      %exp3A_1097 = math.exp %sub3A_1096 : vector<16xf32>
      %add3A_1098 = arith.addf %add3A_1090, %exp3A_1097 : vector<16xf32>
      %get3A_1099 = arith.constant 17 : i32
      %get3A_1100 = arith.index_cast %get3A_1099 : i32 to index
      %get3A_1101 = arith.index_cast %mul3A_10 : i32 to index
      %get3A_1102 = tpu.vector_load %arg6[%get3A_1100, %get3A_1101] {strides = array<i32>} : memref<64x1024xf32, #tpu.memory_space<vmem>>, vector<1x16xf32>,
      %get3A_1103 = vector.shape_cast %get3A_1102 : vector<1x16xf32> to vector<16xf32>
      %sub3A_1104 = arith.subf %get3A_1103, %select_n3A_962 : vector<16xf32>
      %exp3A_1105 = math.exp %sub3A_1104 : vector<16xf32>
      %add3A_1106 = arith.addf %add3A_1098, %exp3A_1105 : vector<16xf32>
      %get3A_1107 = arith.constant 18 : i32
      %get3A_1108 = arith.index_cast %get3A_1107 : i32 to index
      %get3A_1109 = arith.index_cast %mul3A_10 : i32 to index
      %get3A_1110 = tpu.vector_load %arg6[%get3A_1108, %get3A_1109] {strides = array<i32>} : memref<64x1024xf32, #tpu.memory_space<vmem>>, vector<1x16xf32>,
      %get3A_1111 = vector.shape_cast %get3A_1110 : vector<1x16xf32> to vector<16xf32>
      %sub3A_1112 = arith.subf %get3A_1111, %select_n3A_962 : vector<16xf32>
      %exp3A_1113 = math.exp %sub3A_1112 : vector<16xf32>
      %add3A_1114 = arith.addf %add3A_1106, %exp3A_1113 : vector<16xf32>
      %get3A_1115 = arith.constant 19 : i32
      %get3A_1116 = arith.index_cast %get3A_1115 : i32 to index
      %get3A_1117 = arith.index_cast %mul3A_10 : i32 to index
      %get3A_1118 = tpu.vector_load %arg6[%get3A_1116, %get3A_1117] {strides = array<i32>} : memref<64x1024xf32, #tpu.memory_space<vmem>>, vector<1x16xf32>,
      %get3A_1119 = vector.shape_cast %get3A_1118 : vector<1x16xf32> to vector<16xf32>
      %sub3A_1120 = arith.subf %get3A_1119, %select_n3A_962 : vector<16xf32>
      %exp3A_1121 = math.exp %sub3A_1120 : vector<16xf32>
      %add3A_1122 = arith.addf %add3A_1114, %exp3A_1121 : vector<16xf32>
      %get3A_1123 = arith.constant 20 : i32
      %get3A_1124 = arith.index_cast %get3A_1123 : i32 to index
      %get3A_1125 = arith.index_cast %mul3A_10 : i32 to index
      %get3A_1126 = tpu.vector_load %arg6[%get3A_1124, %get3A_1125] {strides = array<i32>} : memref<64x1024xf32, #tpu.memory_space<vmem>>, vector<1x16xf32>,
      %get3A_1127 = vector.shape_cast %get3A_1126 : vector<1x16xf32> to vector<16xf32>
      %sub3A_1128 = arith.subf %get3A_1127, %select_n3A_962 : vector<16xf32>
      %exp3A_1129 = math.exp %sub3A_1128 : vector<16xf32>
      %add3A_1130 = arith.addf %add3A_1122, %exp3A_1129 : vector<16xf32>
      %get3A_1131 = arith.constant 21 : i32
      %get3A_1132 = arith.index_cast %get3A_1131 : i32 to index
      %get3A_1133 = arith.index_cast %mul3A_10 : i32 to index
      %get3A_1134 = tpu.vector_load %arg6[%get3A_1132, %get3A_1133] {strides = array<i32>} : memref<64x1024xf32, #tpu.memory_space<vmem>>, vector<1x16xf32>,
      %get3A_1135 = vector.shape_cast %get3A_1134 : vector<1x16xf32> to vector<16xf32>
      %sub3A_1136 = arith.subf %get3A_1135, %select_n3A_962 : vector<16xf32>
      %exp3A_1137 = math.exp %sub3A_1136 : vector<16xf32>
      %add3A_1138 = arith.addf %add3A_1130, %exp3A_1137 : vector<16xf32>
      %get3A_1139 = arith.constant 22 : i32
      %get3A_1140 = arith.index_cast %get3A_1139 : i32 to index
      %get3A_1141 = arith.index_cast %mul3A_10 : i32 to index
      %get3A_1142 = tpu.vector_load %arg6[%get3A_1140, %get3A_1141] {strides = array<i32>} : memref<64x1024xf32, #tpu.memory_space<vmem>>, vector<1x16xf32>,
      %get3A_1143 = vector.shape_cast %get3A_1142 : vector<1x16xf32> to vector<16xf32>
      %sub3A_1144 = arith.subf %get3A_1143, %select_n3A_962 : vector<16xf32>
      %exp3A_1145 = math.exp %sub3A_1144 : vector<16xf32>
      %add3A_1146 = arith.addf %add3A_1138, %exp3A_1145 : vector<16xf32>
      %get3A_1147 = arith.constant 23 : i32
      %get3A_1148 = arith.index_cast %get3A_1147 : i32 to index
      %get3A_1149 = arith.index_cast %mul3A_10 : i32 to index
      %get3A_1150 = tpu.vector_load %arg6[%get3A_1148, %get3A_1149] {strides = array<i32>} : memref<64x1024xf32, #tpu.memory_space<vmem>>, vector<1x16xf32>,
      %get3A_1151 = vector.shape_cast %get3A_1150 : vector<1x16xf32> to vector<16xf32>
      %sub3A_1152 = arith.subf %get3A_1151, %select_n3A_962 : vector<16xf32>
      %exp3A_1153 = math.exp %sub3A_1152 : vector<16xf32>
      %add3A_1154 = arith.addf %add3A_1146, %exp3A_1153 : vector<16xf32>
      %get3A_1155 = arith.constant 24 : i32
      %get3A_1156 = arith.index_cast %get3A_1155 : i32 to index
      %get3A_1157 = arith.index_cast %mul3A_10 : i32 to index
      %get3A_1158 = tpu.vector_load %arg6[%get3A_1156, %get3A_1157] {strides = array<i32>} : memref<64x1024xf32, #tpu.memory_space<vmem>>, vector<1x16xf32>,
      %get3A_1159 = vector.shape_cast %get3A_1158 : vector<1x16xf32> to vector<16xf32>
      %sub3A_1160 = arith.subf %get3A_1159, %select_n3A_962 : vector<16xf32>
      %exp3A_1161 = math.exp %sub3A_1160 : vector<16xf32>
      %add3A_1162 = arith.addf %add3A_1154, %exp3A_1161 : vector<16xf32>
      %get3A_1163 = arith.constant 25 : i32
      %get3A_1164 = arith.index_cast %get3A_1163 : i32 to index
      %get3A_1165 = arith.index_cast %mul3A_10 : i32 to index
      %get3A_1166 = tpu.vector_load %arg6[%get3A_1164, %get3A_1165] {strides = array<i32>} : memref<64x1024xf32, #tpu.memory_space<vmem>>, vector<1x16xf32>,
      %get3A_1167 = vector.shape_cast %get3A_1166 : vector<1x16xf32> to vector<16xf32>
      %sub3A_1168 = arith.subf %get3A_1167, %select_n3A_962 : vector<16xf32>
      %exp3A_1169 = math.exp %sub3A_1168 : vector<16xf32>
      %add3A_1170 = arith.addf %add3A_1162, %exp3A_1169 : vector<16xf32>
      %get3A_1171 = arith.constant 26 : i32
      %get3A_1172 = arith.index_cast %get3A_1171 : i32 to index
      %get3A_1173 = arith.index_cast %mul3A_10 : i32 to index
      %get3A_1174 = tpu.vector_load %arg6[%get3A_1172, %get3A_1173] {strides = array<i32>} : memref<64x1024xf32, #tpu.memory_space<vmem>>, vector<1x16xf32>,
      %get3A_1175 = vector.shape_cast %get3A_1174 : vector<1x16xf32> to vector<16xf32>
      %sub3A_1176 = arith.subf %get3A_1175, %select_n3A_962 : vector<16xf32>
      %exp3A_1177 = math.exp %sub3A_1176 : vector<16xf32>
      %add3A_1178 = arith.addf %add3A_1170, %exp3A_1177 : vector<16xf32>
      %get3A_1179 = arith.constant 27 : i32
      %get3A_1180 = arith.index_cast %get3A_1179 : i32 to index
      %get3A_1181 = arith.index_cast %mul3A_10 : i32 to index
      %get3A_1182 = tpu.vector_load %arg6[%get3A_1180, %get3A_1181] {strides = array<i32>} : memref<64x1024xf32, #tpu.memory_space<vmem>>, vector<1x16xf32>,
      %get3A_1183 = vector.shape_cast %get3A_1182 : vector<1x16xf32> to vector<16xf32>
      %sub3A_1184 = arith.subf %get3A_1183, %select_n3A_962 : vector<16xf32>
      %exp3A_1185 = math.exp %sub3A_1184 : vector<16xf32>
      %add3A_1186 = arith.addf %add3A_1178, %exp3A_1185 : vector<16xf32>
      %get3A_1187 = arith.constant 28 : i32
      %get3A_1188 = arith.index_cast %get3A_1187 : i32 to index
      %get3A_1189 = arith.index_cast %mul3A_10 : i32 to index
      %get3A_1190 = tpu.vector_load %arg6[%get3A_1188, %get3A_1189] {strides = array<i32>} : memref<64x1024xf32, #tpu.memory_space<vmem>>, vector<1x16xf32>,
      %get3A_1191 = vector.shape_cast %get3A_1190 : vector<1x16xf32> to vector<16xf32>
      %sub3A_1192 = arith.subf %get3A_1191, %select_n3A_962 : vector<16xf32>
      %exp3A_1193 = math.exp %sub3A_1192 : vector<16xf32>
      %add3A_1194 = arith.addf %add3A_1186, %exp3A_1193 : vector<16xf32>
      %get3A_1195 = arith.constant 29 : i32
      %get3A_1196 = arith.index_cast %get3A_1195 : i32 to index
      %get3A_1197 = arith.index_cast %mul3A_10 : i32 to index
      %get3A_1198 = tpu.vector_load %arg6[%get3A_1196, %get3A_1197] {strides = array<i32>} : memref<64x1024xf32, #tpu.memory_space<vmem>>, vector<1x16xf32>,
      %get3A_1199 = vector.shape_cast %get3A_1198 : vector<1x16xf32> to vector<16xf32>
      %sub3A_1200 = arith.subf %get3A_1199, %select_n3A_962 : vector<16xf32>
      %exp3A_1201 = math.exp %sub3A_1200 : vector<16xf32>
      %add3A_1202 = arith.addf %add3A_1194, %exp3A_1201 : vector<16xf32>
      %get3A_1203 = arith.constant 30 : i32
      %get3A_1204 = arith.index_cast %get3A_1203 : i32 to index
      %get3A_1205 = arith.index_cast %mul3A_10 : i32 to index
      %get3A_1206 = tpu.vector_load %arg6[%get3A_1204, %get3A_1205] {strides = array<i32>} : memref<64x1024xf32, #tpu.memory_space<vmem>>, vector<1x16xf32>,
      %get3A_1207 = vector.shape_cast %get3A_1206 : vector<1x16xf32> to vector<16xf32>
      %sub3A_1208 = arith.subf %get3A_1207, %select_n3A_962 : vector<16xf32>
      %exp3A_1209 = math.exp %sub3A_1208 : vector<16xf32>
      %add3A_1210 = arith.addf %add3A_1202, %exp3A_1209 : vector<16xf32>
      %get3A_1211 = arith.constant 31 : i32
      %get3A_1212 = arith.index_cast %get3A_1211 : i32 to index
      %get3A_1213 = arith.index_cast %mul3A_10 : i32 to index
      %get3A_1214 = tpu.vector_load %arg6[%get3A_1212, %get3A_1213] {strides = array<i32>} : memref<64x1024xf32, #tpu.memory_space<vmem>>, vector<1x16xf32>,
      %get3A_1215 = vector.shape_cast %get3A_1214 : vector<1x16xf32> to vector<16xf32>
      %sub3A_1216 = arith.subf %get3A_1215, %select_n3A_962 : vector<16xf32>
      %exp3A_1217 = math.exp %sub3A_1216 : vector<16xf32>
      %add3A_1218 = arith.addf %add3A_1210, %exp3A_1217 : vector<16xf32>
      %get3A_1219 = arith.constant 32 : i32
      %get3A_1220 = arith.index_cast %get3A_1219 : i32 to index
      %get3A_1221 = arith.index_cast %mul3A_10 : i32 to index
      %get3A_1222 = tpu.vector_load %arg6[%get3A_1220, %get3A_1221] {strides = array<i32>} : memref<64x1024xf32, #tpu.memory_space<vmem>>, vector<1x16xf32>,
      %get3A_1223 = vector.shape_cast %get3A_1222 : vector<1x16xf32> to vector<16xf32>
      %sub3A_1224 = arith.subf %get3A_1223, %select_n3A_962 : vector<16xf32>
      %exp3A_1225 = math.exp %sub3A_1224 : vector<16xf32>
      %add3A_1226 = arith.addf %add3A_1218, %exp3A_1225 : vector<16xf32>
      %get3A_1227 = arith.constant 33 : i32
      %get3A_1228 = arith.index_cast %get3A_1227 : i32 to index
      %get3A_1229 = arith.index_cast %mul3A_10 : i32 to index
      %get3A_1230 = tpu.vector_load %arg6[%get3A_1228, %get3A_1229] {strides = array<i32>} : memref<64x1024xf32, #tpu.memory_space<vmem>>, vector<1x16xf32>,
      %get3A_1231 = vector.shape_cast %get3A_1230 : vector<1x16xf32> to vector<16xf32>
      %sub3A_1232 = arith.subf %get3A_1231, %select_n3A_962 : vector<16xf32>
      %exp3A_1233 = math.exp %sub3A_1232 : vector<16xf32>
      %add3A_1234 = arith.addf %add3A_1226, %exp3A_1233 : vector<16xf32>
      %get3A_1235 = arith.constant 34 : i32
      %get3A_1236 = arith.index_cast %get3A_1235 : i32 to index
      %get3A_1237 = arith.index_cast %mul3A_10 : i32 to index
      %get3A_1238 = tpu.vector_load %arg6[%get3A_1236, %get3A_1237] {strides = array<i32>} : memref<64x1024xf32, #tpu.memory_space<vmem>>, vector<1x16xf32>,
      %get3A_1239 = vector.shape_cast %get3A_1238 : vector<1x16xf32> to vector<16xf32>
      %sub3A_1240 = arith.subf %get3A_1239, %select_n3A_962 : vector<16xf32>
      %exp3A_1241 = math.exp %sub3A_1240 : vector<16xf32>
      %add3A_1242 = arith.addf %add3A_1234, %exp3A_1241 : vector<16xf32>
      %get3A_1243 = arith.constant 35 : i32
      %get3A_1244 = arith.index_cast %get3A_1243 : i32 to index
      %get3A_1245 = arith.index_cast %mul3A_10 : i32 to index
      %get3A_1246 = tpu.vector_load %arg6[%get3A_1244, %get3A_1245] {strides = array<i32>} : memref<64x1024xf32, #tpu.memory_space<vmem>>, vector<1x16xf32>,
      %get3A_1247 = vector.shape_cast %get3A_1246 : vector<1x16xf32> to vector<16xf32>
      %sub3A_1248 = arith.subf %get3A_1247, %select_n3A_962 : vector<16xf32>
      %exp3A_1249 = math.exp %sub3A_1248 : vector<16xf32>
      %add3A_1250 = arith.addf %add3A_1242, %exp3A_1249 : vector<16xf32>
      %get3A_1251 = arith.constant 36 : i32
      %get3A_1252 = arith.index_cast %get3A_1251 : i32 to index
      %get3A_1253 = arith.index_cast %mul3A_10 : i32 to index
      %get3A_1254 = tpu.vector_load %arg6[%get3A_1252, %get3A_1253] {strides = array<i32>} : memref<64x1024xf32, #tpu.memory_space<vmem>>, vector<1x16xf32>,
      %get3A_1255 = vector.shape_cast %get3A_1254 : vector<1x16xf32> to vector<16xf32>
      %sub3A_1256 = arith.subf %get3A_1255, %select_n3A_962 : vector<16xf32>
      %exp3A_1257 = math.exp %sub3A_1256 : vector<16xf32>
      %add3A_1258 = arith.addf %add3A_1250, %exp3A_1257 : vector<16xf32>
      %get3A_1259 = arith.constant 37 : i32
      %get3A_1260 = arith.index_cast %get3A_1259 : i32 to index
      %get3A_1261 = arith.index_cast %mul3A_10 : i32 to index
      %get3A_1262 = tpu.vector_load %arg6[%get3A_1260, %get3A_1261] {strides = array<i32>} : memref<64x1024xf32, #tpu.memory_space<vmem>>, vector<1x16xf32>,
      %get3A_1263 = vector.shape_cast %get3A_1262 : vector<1x16xf32> to vector<16xf32>
      %sub3A_1264 = arith.subf %get3A_1263, %select_n3A_962 : vector<16xf32>
      %exp3A_1265 = math.exp %sub3A_1264 : vector<16xf32>
      %add3A_1266 = arith.addf %add3A_1258, %exp3A_1265 : vector<16xf32>
      %get3A_1267 = arith.constant 38 : i32
      %get3A_1268 = arith.index_cast %get3A_1267 : i32 to index
      %get3A_1269 = arith.index_cast %mul3A_10 : i32 to index
      %get3A_1270 = tpu.vector_load %arg6[%get3A_1268, %get3A_1269] {strides = array<i32>} : memref<64x1024xf32, #tpu.memory_space<vmem>>, vector<1x16xf32>,
      %get3A_1271 = vector.shape_cast %get3A_1270 : vector<1x16xf32> to vector<16xf32>
      %sub3A_1272 = arith.subf %get3A_1271, %select_n3A_962 : vector<16xf32>
      %exp3A_1273 = math.exp %sub3A_1272 : vector<16xf32>
      %add3A_1274 = arith.addf %add3A_1266, %exp3A_1273 : vector<16xf32>
      %get3A_1275 = arith.constant 39 : i32
      %get3A_1276 = arith.index_cast %get3A_1275 : i32 to index
      %get3A_1277 = arith.index_cast %mul3A_10 : i32 to index
      %get3A_1278 = tpu.vector_load %arg6[%get3A_1276, %get3A_1277] {strides = array<i32>} : memref<64x1024xf32, #tpu.memory_space<vmem>>, vector<1x16xf32>,
      %get3A_1279 = vector.shape_cast %get3A_1278 : vector<1x16xf32> to vector<16xf32>
      %sub3A_1280 = arith.subf %get3A_1279, %select_n3A_962 : vector<16xf32>
      %exp3A_1281 = math.exp %sub3A_1280 : vector<16xf32>
      %add3A_1282 = arith.addf %add3A_1274, %exp3A_1281 : vector<16xf32>
      %get3A_1283 = arith.constant 40 : i32
      %get3A_1284 = arith.index_cast %get3A_1283 : i32 to index
      %get3A_1285 = arith.index_cast %mul3A_10 : i32 to index
      %get3A_1286 = tpu.vector_load %arg6[%get3A_1284, %get3A_1285] {strides = array<i32>} : memref<64x1024xf32, #tpu.memory_space<vmem>>, vector<1x16xf32>,
      %get3A_1287 = vector.shape_cast %get3A_1286 : vector<1x16xf32> to vector<16xf32>
      %sub3A_1288 = arith.subf %get3A_1287, %select_n3A_962 : vector<16xf32>
      %exp3A_1289 = math.exp %sub3A_1288 : vector<16xf32>
      %add3A_1290 = arith.addf %add3A_1282, %exp3A_1289 : vector<16xf32>
      %get3A_1291 = arith.constant 41 : i32
      %get3A_1292 = arith.index_cast %get3A_1291 : i32 to index
      %get3A_1293 = arith.index_cast %mul3A_10 : i32 to index
      %get3A_1294 = tpu.vector_load %arg6[%get3A_1292, %get3A_1293] {strides = array<i32>} : memref<64x1024xf32, #tpu.memory_space<vmem>>, vector<1x16xf32>,
      %get3A_1295 = vector.shape_cast %get3A_1294 : vector<1x16xf32> to vector<16xf32>
      %sub3A_1296 = arith.subf %get3A_1295, %select_n3A_962 : vector<16xf32>
      %exp3A_1297 = math.exp %sub3A_1296 : vector<16xf32>
      %add3A_1298 = arith.addf %add3A_1290, %exp3A_1297 : vector<16xf32>
      %get3A_1299 = arith.constant 42 : i32
      %get3A_1300 = arith.index_cast %get3A_1299 : i32 to index
      %get3A_1301 = arith.index_cast %mul3A_10 : i32 to index
      %get3A_1302 = tpu.vector_load %arg6[%get3A_1300, %get3A_1301] {strides = array<i32>} : memref<64x1024xf32, #tpu.memory_space<vmem>>, vector<1x16xf32>,
      %get3A_1303 = vector.shape_cast %get3A_1302 : vector<1x16xf32> to vector<16xf32>
      %sub3A_1304 = arith.subf %get3A_1303, %select_n3A_962 : vector<16xf32>
      %exp3A_1305 = math.exp %sub3A_1304 : vector<16xf32>
      %add3A_1306 = arith.addf %add3A_1298, %exp3A_1305 : vector<16xf32>
      %get3A_1307 = arith.constant 43 : i32
      %get3A_1308 = arith.index_cast %get3A_1307 : i32 to index
      %get3A_1309 = arith.index_cast %mul3A_10 : i32 to index
      %get3A_1310 = tpu.vector_load %arg6[%get3A_1308, %get3A_1309] {strides = array<i32>} : memref<64x1024xf32, #tpu.memory_space<vmem>>, vector<1x16xf32>,
      %get3A_1311 = vector.shape_cast %get3A_1310 : vector<1x16xf32> to vector<16xf32>
      %sub3A_1312 = arith.subf %get3A_1311, %select_n3A_962 : vector<16xf32>
      %exp3A_1313 = math.exp %sub3A_1312 : vector<16xf32>
      %add3A_1314 = arith.addf %add3A_1306, %exp3A_1313 : vector<16xf32>
      %get3A_1315 = arith.constant 44 : i32
      %get3A_1316 = arith.index_cast %get3A_1315 : i32 to index
      %get3A_1317 = arith.index_cast %mul3A_10 : i32 to index
      %get3A_1318 = tpu.vector_load %arg6[%get3A_1316, %get3A_1317] {strides = array<i32>} : memref<64x1024xf32, #tpu.memory_space<vmem>>, vector<1x16xf32>,
      %get3A_1319 = vector.shape_cast %get3A_1318 : vector<1x16xf32> to vector<16xf32>
      %sub3A_1320 = arith.subf %get3A_1319, %select_n3A_962 : vector<16xf32>
      %exp3A_1321 = math.exp %sub3A_1320 : vector<16xf32>
      %add3A_1322 = arith.addf %add3A_1314, %exp3A_1321 : vector<16xf32>
      %get3A_1323 = arith.constant 45 : i32
      %get3A_1324 = arith.index_cast %get3A_1323 : i32 to index
      %get3A_1325 = arith.index_cast %mul3A_10 : i32 to index
      %get3A_1326 = tpu.vector_load %arg6[%get3A_1324, %get3A_1325] {strides = array<i32>} : memref<64x1024xf32, #tpu.memory_space<vmem>>, vector<1x16xf32>,
      %get3A_1327 = vector.shape_cast %get3A_1326 : vector<1x16xf32> to vector<16xf32>
      %sub3A_1328 = arith.subf %get3A_1327, %select_n3A_962 : vector<16xf32>
      %exp3A_1329 = math.exp %sub3A_1328 : vector<16xf32>
      %add3A_1330 = arith.addf %add3A_1322, %exp3A_1329 : vector<16xf32>
      %get3A_1331 = arith.constant 46 : i32
      %get3A_1332 = arith.index_cast %get3A_1331 : i32 to index
      %get3A_1333 = arith.index_cast %mul3A_10 : i32 to index
      %get3A_1334 = tpu.vector_load %arg6[%get3A_1332, %get3A_1333] {strides = array<i32>} : memref<64x1024xf32, #tpu.memory_space<vmem>>, vector<1x16xf32>,
      %get3A_1335 = vector.shape_cast %get3A_1334 : vector<1x16xf32> to vector<16xf32>
      %sub3A_1336 = arith.subf %get3A_1335, %select_n3A_962 : vector<16xf32>
      %exp3A_1337 = math.exp %sub3A_1336 : vector<16xf32>
      %add3A_1338 = arith.addf %add3A_1330, %exp3A_1337 : vector<16xf32>
      %get3A_1339 = arith.constant 47 : i32
      %get3A_1340 = arith.index_cast %get3A_1339 : i32 to index
      %get3A_1341 = arith.index_cast %mul3A_10 : i32 to index
      %get3A_1342 = tpu.vector_load %arg6[%get3A_1340, %get3A_1341] {strides = array<i32>} : memref<64x1024xf32, #tpu.memory_space<vmem>>, vector<1x16xf32>,
      %get3A_1343 = vector.shape_cast %get3A_1342 : vector<1x16xf32> to vector<16xf32>
      %sub3A_1344 = arith.subf %get3A_1343, %select_n3A_962 : vector<16xf32>
      %exp3A_1345 = math.exp %sub3A_1344 : vector<16xf32>
      %add3A_1346 = arith.addf %add3A_1338, %exp3A_1345 : vector<16xf32>
      %get3A_1347 = arith.constant 48 : i32
      %get3A_1348 = arith.index_cast %get3A_1347 : i32 to index
      %get3A_1349 = arith.index_cast %mul3A_10 : i32 to index
      %get3A_1350 = tpu.vector_load %arg6[%get3A_1348, %get3A_1349] {strides = array<i32>} : memref<64x1024xf32, #tpu.memory_space<vmem>>, vector<1x16xf32>,
      %get3A_1351 = vector.shape_cast %get3A_1350 : vector<1x16xf32> to vector<16xf32>
      %sub3A_1352 = arith.subf %get3A_1351, %select_n3A_962 : vector<16xf32>
      %exp3A_1353 = math.exp %sub3A_1352 : vector<16xf32>
      %add3A_1354 = arith.addf %add3A_1346, %exp3A_1353 : vector<16xf32>
      %get3A_1355 = arith.constant 49 : i32
      %get3A_1356 = arith.index_cast %get3A_1355 : i32 to index
      %get3A_1357 = arith.index_cast %mul3A_10 : i32 to index
      %get3A_1358 = tpu.vector_load %arg6[%get3A_1356, %get3A_1357] {strides = array<i32>} : memref<64x1024xf32, #tpu.memory_space<vmem>>, vector<1x16xf32>,
      %get3A_1359 = vector.shape_cast %get3A_1358 : vector<1x16xf32> to vector<16xf32>
      %sub3A_1360 = arith.subf %get3A_1359, %select_n3A_962 : vector<16xf32>
      %exp3A_1361 = math.exp %sub3A_1360 : vector<16xf32>
      %add3A_1362 = arith.addf %add3A_1354, %exp3A_1361 : vector<16xf32>
      %get3A_1363 = arith.constant 50 : i32
      %get3A_1364 = arith.index_cast %get3A_1363 : i32 to index
      %get3A_1365 = arith.index_cast %mul3A_10 : i32 to index
      %get3A_1366 = tpu.vector_load %arg6[%get3A_1364, %get3A_1365] {strides = array<i32>} : memref<64x1024xf32, #tpu.memory_space<vmem>>, vector<1x16xf32>,
      %get3A_1367 = vector.shape_cast %get3A_1366 : vector<1x16xf32> to vector<16xf32>
      %sub3A_1368 = arith.subf %get3A_1367, %select_n3A_962 : vector<16xf32>
      %exp3A_1369 = math.exp %sub3A_1368 : vector<16xf32>
      %add3A_1370 = arith.addf %add3A_1362, %exp3A_1369 : vector<16xf32>
      %get3A_1371 = arith.constant 51 : i32
      %get3A_1372 = arith.index_cast %get3A_1371 : i32 to index
      %get3A_1373 = arith.index_cast %mul3A_10 : i32 to index
      %get3A_1374 = tpu.vector_load %arg6[%get3A_1372, %get3A_1373] {strides = array<i32>} : memref<64x1024xf32, #tpu.memory_space<vmem>>, vector<1x16xf32>,
      %get3A_1375 = vector.shape_cast %get3A_1374 : vector<1x16xf32> to vector<16xf32>
      %sub3A_1376 = arith.subf %get3A_1375, %select_n3A_962 : vector<16xf32>
      %exp3A_1377 = math.exp %sub3A_1376 : vector<16xf32>
      %add3A_1378 = arith.addf %add3A_1370, %exp3A_1377 : vector<16xf32>
      %get3A_1379 = arith.constant 52 : i32
      %get3A_1380 = arith.index_cast %get3A_1379 : i32 to index
      %get3A_1381 = arith.index_cast %mul3A_10 : i32 to index
      %get3A_1382 = tpu.vector_load %arg6[%get3A_1380, %get3A_1381] {strides = array<i32>} : memref<64x1024xf32, #tpu.memory_space<vmem>>, vector<1x16xf32>,
      %get3A_1383 = vector.shape_cast %get3A_1382 : vector<1x16xf32> to vector<16xf32>
      %sub3A_1384 = arith.subf %get3A_1383, %select_n3A_962 : vector<16xf32>
      %exp3A_1385 = math.exp %sub3A_1384 : vector<16xf32>
      %add3A_1386 = arith.addf %add3A_1378, %exp3A_1385 : vector<16xf32>
      %get3A_1387 = arith.constant 53 : i32
      %get3A_1388 = arith.index_cast %get3A_1387 : i32 to index
      %get3A_1389 = arith.index_cast %mul3A_10 : i32 to index
      %get3A_1390 = tpu.vector_load %arg6[%get3A_1388, %get3A_1389] {strides = array<i32>} : memref<64x1024xf32, #tpu.memory_space<vmem>>, vector<1x16xf32>,
      %get3A_1391 = vector.shape_cast %get3A_1390 : vector<1x16xf32> to vector<16xf32>
      %sub3A_1392 = arith.subf %get3A_1391, %select_n3A_962 : vector<16xf32>
      %exp3A_1393 = math.exp %sub3A_1392 : vector<16xf32>
      %add3A_1394 = arith.addf %add3A_1386, %exp3A_1393 : vector<16xf32>
      %get3A_1395 = arith.constant 54 : i32
      %get3A_1396 = arith.index_cast %get3A_1395 : i32 to index
      %get3A_1397 = arith.index_cast %mul3A_10 : i32 to index
      %get3A_1398 = tpu.vector_load %arg6[%get3A_1396, %get3A_1397] {strides = array<i32>} : memref<64x1024xf32, #tpu.memory_space<vmem>>, vector<1x16xf32>,
      %get3A_1399 = vector.shape_cast %get3A_1398 : vector<1x16xf32> to vector<16xf32>
      %sub3A_1400 = arith.subf %get3A_1399, %select_n3A_962 : vector<16xf32>
      %exp3A_1401 = math.exp %sub3A_1400 : vector<16xf32>
      %add3A_1402 = arith.addf %add3A_1394, %exp3A_1401 : vector<16xf32>
      %get3A_1403 = arith.constant 55 : i32
      %get3A_1404 = arith.index_cast %get3A_1403 : i32 to index
      %get3A_1405 = arith.index_cast %mul3A_10 : i32 to index
      %get3A_1406 = tpu.vector_load %arg6[%get3A_1404, %get3A_1405] {strides = array<i32>} : memref<64x1024xf32, #tpu.memory_space<vmem>>, vector<1x16xf32>,
      %get3A_1407 = vector.shape_cast %get3A_1406 : vector<1x16xf32> to vector<16xf32>
      %sub3A_1408 = arith.subf %get3A_1407, %select_n3A_962 : vector<16xf32>
      %exp3A_1409 = math.exp %sub3A_1408 : vector<16xf32>
      %add3A_1410 = arith.addf %add3A_1402, %exp3A_1409 : vector<16xf32>
      %get3A_1411 = arith.constant 56 : i32
      %get3A_1412 = arith.index_cast %get3A_1411 : i32 to index
      %get3A_1413 = arith.index_cast %mul3A_10 : i32 to index
      %get3A_1414 = tpu.vector_load %arg6[%get3A_1412, %get3A_1413] {strides = array<i32>} : memref<64x1024xf32, #tpu.memory_space<vmem>>, vector<1x16xf32>,
      %get3A_1415 = vector.shape_cast %get3A_1414 : vector<1x16xf32> to vector<16xf32>
      %sub3A_1416 = arith.subf %get3A_1415, %select_n3A_962 : vector<16xf32>
      %exp3A_1417 = math.exp %sub3A_1416 : vector<16xf32>
      %add3A_1418 = arith.addf %add3A_1410, %exp3A_1417 : vector<16xf32>
      %get3A_1419 = arith.constant 57 : i32
      %get3A_1420 = arith.index_cast %get3A_1419 : i32 to index
      %get3A_1421 = arith.index_cast %mul3A_10 : i32 to index
      %get3A_1422 = tpu.vector_load %arg6[%get3A_1420, %get3A_1421] {strides = array<i32>} : memref<64x1024xf32, #tpu.memory_space<vmem>>, vector<1x16xf32>,
      %get3A_1423 = vector.shape_cast %get3A_1422 : vector<1x16xf32> to vector<16xf32>
      %sub3A_1424 = arith.subf %get3A_1423, %select_n3A_962 : vector<16xf32>
      %exp3A_1425 = math.exp %sub3A_1424 : vector<16xf32>
      %add3A_1426 = arith.addf %add3A_1418, %exp3A_1425 : vector<16xf32>
      %get3A_1427 = arith.constant 58 : i32
      %get3A_1428 = arith.index_cast %get3A_1427 : i32 to index
      %get3A_1429 = arith.index_cast %mul3A_10 : i32 to index
      %get3A_1430 = tpu.vector_load %arg6[%get3A_1428, %get3A_1429] {strides = array<i32>} : memref<64x1024xf32, #tpu.memory_space<vmem>>, vector<1x16xf32>,
      %get3A_1431 = vector.shape_cast %get3A_1430 : vector<1x16xf32> to vector<16xf32>
      %sub3A_1432 = arith.subf %get3A_1431, %select_n3A_962 : vector<16xf32>
      %exp3A_1433 = math.exp %sub3A_1432 : vector<16xf32>
      %add3A_1434 = arith.addf %add3A_1426, %exp3A_1433 : vector<16xf32>
      %get3A_1435 = arith.constant 59 : i32
      %get3A_1436 = arith.index_cast %get3A_1435 : i32 to index
      %get3A_1437 = arith.index_cast %mul3A_10 : i32 to index
      %get3A_1438 = tpu.vector_load %arg6[%get3A_1436, %get3A_1437] {strides = array<i32>} : memref<64x1024xf32, #tpu.memory_space<vmem>>, vector<1x16xf32>,
      %get3A_1439 = vector.shape_cast %get3A_1438 : vector<1x16xf32> to vector<16xf32>
      %sub3A_1440 = arith.subf %get3A_1439, %select_n3A_962 : vector<16xf32>
      %exp3A_1441 = math.exp %sub3A_1440 : vector<16xf32>
      %add3A_1442 = arith.addf %add3A_1434, %exp3A_1441 : vector<16xf32>
      %get3A_1443 = arith.constant 60 : i32
      %get3A_1444 = arith.index_cast %get3A_1443 : i32 to index
      %get3A_1445 = arith.index_cast %mul3A_10 : i32 to index
      %get3A_1446 = tpu.vector_load %arg6[%get3A_1444, %get3A_1445] {strides = array<i32>} : memref<64x1024xf32, #tpu.memory_space<vmem>>, vector<1x16xf32>,
      %get3A_1447 = vector.shape_cast %get3A_1446 : vector<1x16xf32> to vector<16xf32>
      %sub3A_1448 = arith.subf %get3A_1447, %select_n3A_962 : vector<16xf32>
      %exp3A_1449 = math.exp %sub3A_1448 : vector<16xf32>
      %add3A_1450 = arith.addf %add3A_1442, %exp3A_1449 : vector<16xf32>
      %get3A_1451 = arith.constant 61 : i32
      %get3A_1452 = arith.index_cast %get3A_1451 : i32 to index
      %get3A_1453 = arith.index_cast %mul3A_10 : i32 to index
      %get3A_1454 = tpu.vector_load %arg6[%get3A_1452, %get3A_1453] {strides = array<i32>} : memref<64x1024xf32, #tpu.memory_space<vmem>>, vector<1x16xf32>,
      %get3A_1455 = vector.shape_cast %get3A_1454 : vector<1x16xf32> to vector<16xf32>
      %sub3A_1456 = arith.subf %get3A_1455, %select_n3A_962 : vector<16xf32>
      %exp3A_1457 = math.exp %sub3A_1456 : vector<16xf32>
      %add3A_1458 = arith.addf %add3A_1450, %exp3A_1457 : vector<16xf32>
      %get3A_1459 = arith.constant 62 : i32
      %get3A_1460 = arith.index_cast %get3A_1459 : i32 to index
      %get3A_1461 = arith.index_cast %mul3A_10 : i32 to index
      %get3A_1462 = tpu.vector_load %arg6[%get3A_1460, %get3A_1461] {strides = array<i32>} : memref<64x1024xf32, #tpu.memory_space<vmem>>, vector<1x16xf32>,
      %get3A_1463 = vector.shape_cast %get3A_1462 : vector<1x16xf32> to vector<16xf32>
      %sub3A_1464 = arith.subf %get3A_1463, %select_n3A_962 : vector<16xf32>
      %exp3A_1465 = math.exp %sub3A_1464 : vector<16xf32>
      %add3A_1466 = arith.addf %add3A_1458, %exp3A_1465 : vector<16xf32>
      %get3A_1467 = arith.constant 63 : i32
      %get3A_1468 = arith.index_cast %get3A_1467 : i32 to index
      %get3A_1469 = arith.index_cast %mul3A_10 : i32 to index
      %get3A_1470 = tpu.vector_load %arg6[%get3A_1468, %get3A_1469] {strides = array<i32>} : memref<64x1024xf32, #tpu.memory_space<vmem>>, vector<1x16xf32>,
      %get3A_1471 = vector.shape_cast %get3A_1470 : vector<1x16xf32> to vector<16xf32>
      %sub3A_1472 = arith.subf %get3A_1471, %select_n3A_962 : vector<16xf32>
      %exp3A_1473 = math.exp %sub3A_1472 : vector<16xf32>
      %add3A_1474 = arith.addf %add3A_1466, %exp3A_1473 : vector<16xf32>
      %sub3A_1475 = arith.subf %select_n3A_960, %select_n3A_962 : vector<16xf32>
      %exp3A_1476 = math.exp %sub3A_1475 : vector<16xf32>
      %div3A = arith.constant 1.000000e+00 : f32
      %div3A_1477 = vector.broadcast %div3A : f32 to vector<16xf32>
      %div3A_1478 = arith.divf %div3A_1477, %add3A_1474 : vector<16xf32>
      %add3A_1479 = arith.constant 1.000000e+00 : f32
      %add3A_1480 = vector.broadcast %add3A_1479 : f32 to vector<16xf32>
      %add3A_1481 = arith.addf %add3A_1480, %exp3A_1476 : vector<16xf32>
      %div3A_1482 = arith.constant 1.000000e+00 : f32
      %div3A_1483 = vector.broadcast %div3A_1482 : f32 to vector<16xf32>
      %div3A_1484 = arith.divf %div3A_1483, %add3A_1481 : vector<16xf32>
      %div3A_1485 = arith.divf %exp3A_1476, %add3A_1481 : vector<16xf32>
      %lt3A = arith.constant 1.000000e-01 : f32
      %lt3A_1486 = vector.broadcast %lt3A : f32 to vector<16xf32>
      %lt3A_1487 = arith.cmpf olt, %div3A_1478, %lt3A_1486 : vector<16xf32>
      %jit3A = arith.constant 0.000000e+00 : f32
      %broadcast_in_dim3A_1488 = vector.broadcast %jit3A : f32 to vector<16xf32>
      %select_n3A_1489 = arith.select %lt3A_1487, %broadcast_in_dim3A_1488, %div3A_1484 : vector<16xi1>, vector<16xf32>
      %jit3A_1490 = arith.constant 0.000000e+00 : f32
      %broadcast_in_dim3A_1491 = vector.broadcast %jit3A_1490 : f32 to vector<16xf32>
      %select_n3A_1492 = arith.select %lt3A_1487, %broadcast_in_dim3A_1491, %div3A_1485 : vector<16xi1>, vector<16xf32>
      %swap3A = arith.constant 0 : i32
      %swap3A_1493 = arith.index_cast %swap3A : i32 to index
      %swap3A_1494 = arith.index_cast %mul3A_10 : i32 to index
      %swap3A_1495 = tpu.vector_load %arg7[%swap3A_1493, %swap3A_1494] {strides = array<i32>} : memref<2x1024xf32, #tpu.memory_space<vmem>>, vector<1x16xf32>,
      %swap3A_1496 = vector.shape_cast %swap3A_1495 : vector<1x16xf32> to vector<16xf32>
      %swap3A_1497 = vector.shape_cast %select_n3A_1489 : vector<16xf32> to vector<1x16xf32>
      tpu.vector_store %arg7[%swap3A_1493, %swap3A_1494], %swap3A_1497 {strides = array<i32>} : memref<2x1024xf32, #tpu.memory_space<vmem>>, vector<1x16xf32>,
      %swap3A_1498 = arith.constant 1 : i32
      %swap3A_1499 = arith.index_cast %swap3A_1498 : i32 to index
      %swap3A_1500 = arith.index_cast %mul3A_10 : i32 to index
      %swap3A_1501 = tpu.vector_load %arg7[%swap3A_1499, %swap3A_1500] {strides = array<i32>} : memref<2x1024xf32, #tpu.memory_space<vmem>>, vector<1x16xf32>,
      %swap3A_1502 = vector.shape_cast %swap3A_1501 : vector<1x16xf32> to vector<16xf32>
      %swap3A_1503 = vector.shape_cast %select_n3A_1492 : vector<16xf32> to vector<1x16xf32>
      tpu.vector_store %arg7[%swap3A_1499, %swap3A_1500], %swap3A_1503 {strides = array<i32>} : memref<2x1024xf32, #tpu.memory_space<vmem>>, vector<1x16xf32>,
      %swap3A_1504 = arith.constant 0 : i32
      %swap3A_1505 = arith.index_cast %swap3A_1504 : i32 to index
      %swap3A_1506 = arith.index_cast %mul3A_10 : i32 to index
      %swap3A_1507 = tpu.vector_load %arg8[%swap3A_1505, %swap3A_1506] {strides = array<i32>} : memref<2x1024xi32, #tpu.memory_space<vmem>>, vector<1x16xi32>,
      %swap3A_1508 = vector.shape_cast %swap3A_1507 : vector<1x16xi32> to vector<16xi32>
      %swap3A_1509 = vector.shape_cast %select_n3A_961 : vector<16xi32> to vector<1x16xi32>
      tpu.vector_store %arg8[%swap3A_1505, %swap3A_1506], %swap3A_1509 {strides = array<i32>} : memref<2x1024xi32, #tpu.memory_space<vmem>>, vector<1x16xi32>,
      %swap3A_1510 = arith.constant 1 : i32
      %swap3A_1511 = arith.index_cast %swap3A_1510 : i32 to index
      %swap3A_1512 = arith.index_cast %mul3A_10 : i32 to index
      %swap3A_1513 = tpu.vector_load %arg8[%swap3A_1511, %swap3A_1512] {strides = array<i32>} : memref<2x1024xi32, #tpu.memory_space<vmem>>, vector<1x16xi32>,
      %swap3A_1514 = vector.shape_cast %swap3A_1513 : vector<1x16xi32> to vector<16xi32>
      %swap3A_1515 = vector.shape_cast %select_n3A_958 : vector<16xi32> to vector<1x16xi32>
      tpu.vector_store %arg8[%swap3A_1511, %swap3A_1512], %swap3A_1515 {strides = array<i32>} : memref<2x1024xi32, #tpu.memory_space<vmem>>, vector<1x16xi32>,
      %jit3A_1516 = arith.constant 1.000000e+00 : f32
      %jit3A_1517 = arith.constant 0.000000e+00 : f32
      %broadcast_in_dim3A_1518 = vector.broadcast %jit3A_1516 : f32 to vector<16xf32>
      %broadcast_in_dim3A_1519 = vector.broadcast %jit3A_1517 : f32 to vector<16xf32>
      %select_n3A_1520 = arith.select %lt3A_1487, %broadcast_in_dim3A_1518, %broadcast_in_dim3A_1519 : vector<16xi1>, vector<16xf32>
      %swap3A_1521 = arith.constant 0 : i32
      %swap3A_1522 = arith.index_cast %swap3A_1521 : i32 to index
      %swap3A_1523 = arith.index_cast %mul3A_10 : i32 to index
      %swap3A_1524 = tpu.vector_load %arg9[%swap3A_1522, %swap3A_1523] {strides = array<i32>} : memref<1x1024xf32, #tpu.memory_space<vmem>>, vector<1x16xf32>,
      %swap3A_1525 = vector.shape_cast %swap3A_1524 : vector<1x16xf32> to vector<16xf32>
      %swap3A_1526 = vector.shape_cast %select_n3A_1520 : vector<16xf32> to vector<1x16xf32>
      tpu.vector_store %arg9[%swap3A_1522, %swap3A_1523], %swap3A_1526 {strides = array<i32>} : memref<1x1024xf32, #tpu.memory_space<vmem>>, vector<1x16xf32>,
    }
    %scan3A_7 = arith.constant 64 : i32
    "tpu.region"() ({
      %run_scoped3A = tpu.sem_alloc : memref<!tpu.dma_semaphore, #tpu.memory_space<semaphore_mem>>
      %dma_start3A = arith.constant 0 : i32
      %dma_start3A_8 = tpu.memref_slice %arg3[%dma_start3A, %mul3A_2] : memref<2x32768xf32, #tpu.memory_space<hbm>> -> memref<2x1024xf32, #tpu.memory_space<hbm>>
      %dma_start3A_9 = arith.constant 0 : i32
      %dma_start3A_10 = tpu.memref_slice %arg3[%dma_start3A_9, %mul3A_2] : memref<2x32768xf32, #tpu.memory_space<hbm>> -> memref<2x1024xf32, #tpu.memory_space<hbm>>
      tpu.enqueue_dma source(%arg7 : memref<2x1024xf32, #tpu.memory_space<vmem>>) target(%dma_start3A_10 : memref<2x1024xf32, #tpu.memory_space<hbm>>) target_semaphore(%run_scoped3A : memref<!tpu.dma_semaphore, #tpu.memory_space<semaphore_mem>>)
      %dma_wait3A = arith.constant 0 : i32
      %dma_wait3A_11 = tpu.memref_slice %arg3[%dma_wait3A, %mul3A_2] : memref<2x32768xf32, #tpu.memory_space<hbm>> -> memref<2x1024xf32, #tpu.memory_space<hbm>>
      %dma_wait3A_12 = arith.constant 0 : i32
      %dma_wait3A_13 = tpu.memref_slice %arg3[%dma_wait3A_12, %mul3A_2] : memref<2x32768xf32, #tpu.memory_space<hbm>> -> memref<2x1024xf32, #tpu.memory_space<hbm>>
      tpu.wait_dma2 semaphore(%run_scoped3A : memref<!tpu.dma_semaphore, #tpu.memory_space<semaphore_mem>>) src(%arg7 : memref<2x1024xf32, #tpu.memory_space<vmem>>) dst(%dma_wait3A_13 : memref<2x1024xf32, #tpu.memory_space<hbm>>)
      tpu.yield
    }) : () -> ()
    "tpu.region"() ({
      %run_scoped3A = tpu.sem_alloc : memref<!tpu.dma_semaphore, #tpu.memory_space<semaphore_mem>>
      %dma_start3A = arith.constant 0 : i32
      %dma_start3A_8 = tpu.memref_slice %arg4[%dma_start3A, %mul3A_2] : memref<2x32768xi32, #tpu.memory_space<hbm>> -> memref<2x1024xi32, #tpu.memory_space<hbm>>
      %dma_start3A_9 = arith.constant 0 : i32
      %dma_start3A_10 = tpu.memref_slice %arg4[%dma_start3A_9, %mul3A_2] : memref<2x32768xi32, #tpu.memory_space<hbm>> -> memref<2x1024xi32, #tpu.memory_space<hbm>>
      tpu.enqueue_dma source(%arg8 : memref<2x1024xi32, #tpu.memory_space<vmem>>) target(%dma_start3A_10 : memref<2x1024xi32, #tpu.memory_space<hbm>>) target_semaphore(%run_scoped3A : memref<!tpu.dma_semaphore, #tpu.memory_space<semaphore_mem>>)
      %dma_wait3A = arith.constant 0 : i32
      %dma_wait3A_11 = tpu.memref_slice %arg4[%dma_wait3A, %mul3A_2] : memref<2x32768xi32, #tpu.memory_space<hbm>> -> memref<2x1024xi32, #tpu.memory_space<hbm>>
      %dma_wait3A_12 = arith.constant 0 : i32
      %dma_wait3A_13 = tpu.memref_slice %arg4[%dma_wait3A_12, %mul3A_2] : memref<2x32768xi32, #tpu.memory_space<hbm>> -> memref<2x1024xi32, #tpu.memory_space<hbm>>
      tpu.wait_dma2 semaphore(%run_scoped3A : memref<!tpu.dma_semaphore, #tpu.memory_space<semaphore_mem>>) src(%arg8 : memref<2x1024xi32, #tpu.memory_space<vmem>>) dst(%dma_wait3A_13 : memref<2x1024xi32, #tpu.memory_space<hbm>>)
      tpu.yield
    }) : () -> ()
    "tpu.region"() ({
      %run_scoped3A = tpu.sem_alloc : memref<!tpu.dma_semaphore, #tpu.memory_space<semaphore_mem>>
      %dma_start3A = arith.constant 0 : i32
      %dma_start3A_8 = tpu.memref_slice %arg5[%dma_start3A, %mul3A_2] : memref<1x32768xf32, #tpu.memory_space<hbm>> -> memref<1x1024xf32, #tpu.memory_space<hbm>>
      %dma_start3A_9 = arith.constant 0 : i32
      %dma_start3A_10 = tpu.memref_slice %arg5[%dma_start3A_9, %mul3A_2] : memref<1x32768xf32, #tpu.memory_space<hbm>> -> memref<1x1024xf32, #tpu.memory_space<hbm>>
      tpu.enqueue_dma source(%arg9 : memref<1x1024xf32, #tpu.memory_space<vmem>>) target(%dma_start3A_10 : memref<1x1024xf32, #tpu.memory_space<hbm>>) target_semaphore(%run_scoped3A : memref<!tpu.dma_semaphore, #tpu.memory_space<semaphore_mem>>)
      %dma_wait3A = arith.constant 0 : i32
      %dma_wait3A_11 = tpu.memref_slice %arg5[%dma_wait3A, %mul3A_2] : memref<1x32768xf32, #tpu.memory_space<hbm>> -> memref<1x1024xf32, #tpu.memory_space<hbm>>
      %dma_wait3A_12 = arith.constant 0 : i32
      %dma_wait3A_13 = tpu.memref_slice %arg5[%dma_wait3A_12, %mul3A_2] : memref<1x32768xf32, #tpu.memory_space<hbm>> -> memref<1x1024xf32, #tpu.memory_space<hbm>>
      tpu.wait_dma2 semaphore(%run_scoped3A : memref<!tpu.dma_semaphore, #tpu.memory_space<semaphore_mem>>) src(%arg9 : memref<1x1024xf32, #tpu.memory_space<vmem>>) dst(%dma_wait3A_13 : memref<1x1024xf32, #tpu.memory_space<hbm>>)
      tpu.yield
    }) : () -> ()
    return
  }
}

module attributes {stable_mosaic.version = 14 : i64} {
  func.func @_logits_block(%arg0: i32, %arg1: memref<4096x768xf32, #tpu.memory_space<vmem>>, %arg2: memref<64x768xf32, #tpu.memory_space<vmem>>, %arg3: memref<64x4096xf32, #tpu.memory_space<vmem>>) attributes {dimension_semantics = [#tpu.dimension_semantics<arbitrary>], iteration_bounds = array<i64: 8>, scalar_prefetch = 0 : i64, scratch_operands = 0 : i64, tpu.core_type = #tpu.core_type<tc>, window_params = [{transform_indices = @transform_0, window_bounds = array<i64: 4096, 768>}, {pipeline_mode = #tpu.pipeline_mode<synchronous>, transform_indices = @transform_1, window_bounds = array<i64: 64, 768>}, {transform_indices = @transform_2, window_bounds = array<i64: 64, 4096>}]} {
    %get3A = arith.constant 0 : index
    %get3A_0 = arith.constant 0 : index
    %get3A_1 = vector.load %arg1[%get3A, %get3A_0] : memref<4096x768xf32, #tpu.memory_space<vmem>>, vector<4096x768xf32>
    %get3A_2 = arith.constant 0 : index
    %get3A_3 = arith.constant 0 : index
    %get3A_4 = vector.load %arg2[%get3A_2, %get3A_3] : memref<64x768xf32, #tpu.memory_space<vmem>>, vector<64x768xf32>
    %dot_general3A = arith.constant dense<0.000000e+00> : vector<64x4096xf32>
    %dot_general3A_5 = tpu.matmul %get3A_4, %get3A_1, %dot_general3A {dimension_numbers = #tpu.dot_dimension_numbers<[1], [1], [0], [0], [0, 0, 1, 0], [], []>, transpose_lhs_hint = false} : vector<64x768xf32>, vector<4096x768xf32>, vector<64x4096xf32> -> vector<64x4096xf32>
    %swap3A = arith.constant 0 : index
    %swap3A_6 = arith.constant 0 : index
    %swap3A_7 = vector.load %arg3[%swap3A, %swap3A_6] : memref<64x4096xf32, #tpu.memory_space<vmem>>, vector<64x4096xf32>
    tpu.vector_store %arg3[%swap3A, %swap3A_6], %dot_general3A_5 {strides = array<i32>} : memref<64x4096xf32, #tpu.memory_space<vmem>>, vector<64x4096xf32>,
    return
  }
  func.func @transform_0(%arg0: i32) -> (i32, i32) {
    %c0_i32 = arith.constant 0 : i32
    %c0_i32_0 = arith.constant 0 : i32
    return %arg0, %c0_i32 : i32, i32
  }
  func.func @transform_1(%arg0: i32) -> (i32, i32) {
    %c0_i32 = arith.constant 0 : i32
    %c0_i32_0 = arith.constant 0 : i32
    %c0_i32_1 = arith.constant 0 : i32
    return %c0_i32, %c0_i32_0 : i32, i32
  }
  func.func @transform_2(%arg0: i32) -> (i32, i32) {
    %c0_i32 = arith.constant 0 : i32
    %c0_i32_0 = arith.constant 0 : i32
    return %c0_i32, %arg0 : i32, i32
  }
}

</mosaic_0001>

<sc_bundles>
// kernel: kernel.4.cloned.1.call-start
scs
__scs_entry_jumppad:
0x0: {  	(pc) =	sbr.rel $0x88, $3  }
0x1: {  	(tag) =	ssettag $0x0;
	lr =	simm.s32 $0x1  }
0x2: {  	[smem:$0x3F9F] =	sst lr;
	_ =	strace $0xD0000000  }
0x3: {  	_ = 	snop  }
0x4: {  	_ = 	snop  }
0x5: {  	_ = 	snop  }
0x6: {  	_ = 	snop  }
0x7: {  	_ = 	snop  }
__scs_overlays_trampoline_lowered:
0x8: {  	[smem:$0x3FAE] =	sst s0  }
0x9: {  	[smem:$0x3FAF] =	sst s1  }
0xa: {  	[smem:$0x3FB0] =	sst s2  }
0xb: {  	[smem:$0x3FB1] =	sst s3  }
0xc: {  	[smem:$0x3FB2] =	sst s4  }
0xd: {  	[smem:$0x3FB3] =	sst s5  }
0xe: {  	[smem:$0x3FB4] =	sst s6  }
0xf: {  	[smem:$0x3FB5] =	sst s7  }
0x10: {  	[smem:$0x3FB6] =	sst s8  }
0x11: {  	[smem:$0x3FB7] =	sst s9;
	s0 =	simm.s32 @!p0 $0x0  }
0x12: {  	s1 =	sld [smem:$0x3F9D];
	s0 =	simm.s32 @p0 $0x1  }
0x13: {  	[smem:$0x3FB8] =	sst s0;
	s0 =	simm.s32 @!p1 $0x0  }
0x14: {  	s2 =	sld [smem:$0x3F9C];
	s0 =	simm.s32 @p1 $0x1  }
0x15: {  	[smem:$0x3FB9] =	sst s0;
	s0 =	simm.s32 @!p2 $0x0  }
0x16: {  	s3 =	sld [smem:$0x3FDB];
	s0 =	simm.s32 @p2 $0x1  }
0x17: {  	s4 =	simm.s32 $0x1BF5;
	[smem:$0x3FBB] =	sst s0  }
0x18: {  	s0 =	sld [smem:$0x3F9E];
	_ =	swait.ge [sflag:s4], $0x0  }
0x19: {  	s7 =	sld [smem:$0x3F9F]  }
0x1a: {  	s8 =	sadd.s32 $0xFFFFE003, lr  }
0x1b: {  	s9 =	sadd.s32 $0xFFFFFEF7, lr;
	s5 =	simm.s32 $0xFFFFFFFF;
	p2 =	slt.u32 s8, $0xFFFFF086  }
0x1c: {  	p1 =	slt.u32 s9, $0xF7A;
	s5 =	simm.s32 @!p2 $0x0  }
0x1d: {  	s5 =	simm.s32 @p1 $0x1;
	p0 =	seq.s32 s7, s2  }
0x1e: {  	s7 =	smul.u32 @!p0 $0xF7A, s2;
	p2 =	seq.s32 @!p0 s5, $0x0  }
0x1f: {  	s9 =	smul.u32 $0xF7A, s1;
	s8 =	simm.s32 @!p0 $0x1BF5;
	p2 =	por !p2, p0  }
0x20: {  	[sflag:s8] =	ssyncset.s32 @!p0 $0xFFFFF086;
	s6 =	sadd.s32 @!p0 s3, s7;
	s7 =	simm.s32 @!p0 $0x108  }
0x21: {  	s3 =	sadd.s32 s3, s9;
	s6 =	sadd.s32 @!p0 $0x88, s6;
	s7 =	simm.s32 @p2 $0x1082  }
0x22: {  	[simem:s7], [sflag:s8] =	dma.local @!p0 [hbm:s6], $0xF7A  }
0x23: {  	s9 =	sor.u32 $0xD0000000, s2;
	s6 =	simm.s32 $0x108;
	_ =	swait.ge @!p0 [sflag:s8], $0x0  }
0x24: {  	s3 =	sadd.s32 $0x88, s3;
	s6 =	simm.s32 @!p1 $0x1082;
	[sflag:s4] =	ssyncset.s32 $0xFFFFF086  }
0x25: {  	[simem:s6], [sflag:s4] =	dma.local [hbm:s3], $0xF7A  }
0x26: {  	[smem:$0x3F9F] =	sst s1;
	(tag) =	ssettag s2;
	_ =	strace s9  }
0x27: {  	s1 =	sld [smem:$0x3FAF]  }
0x28: {  	s2 =	sld [smem:$0x3FB0]  }
0x29: {  	s4 =	sld [smem:$0x3FB2]  }
0x2a: {  	p0 =	seq.s32 s5, $0x0;
	s5 =	sld [smem:$0x3FB3]  }
0x2b: {  	s6 =	sld [smem:$0x3FB4]  }
0x2c: {  	s7 =	sld [smem:$0x3FB5]  }
0x2d: {  	s3 =	simm.s32 $0x108;
	s8 =	sld [smem:$0x3FB6]  }
0x2e: {  	s3 =	simm.s32 @!p0 $0x1082;
	s9 =	sld [smem:$0x3FB7]  }
0x2f: {  	lr =	sadd.s32 s0, s3;
	s0 =	sld [smem:$0x3FAE]  }
0x30: {  	s3 =	sld [smem:$0x3FB1]  }
0x31: {  	[smem:$0x3FBA] =	sst s10  }
0x32: {  	s10 =	sld [smem:$0x3FB8];
	_ =	sdelay $0x3  }
0x33: {  	p0 =	seq.s32 s10, $0x1;
	s10 =	sld [smem:$0x3FBA];
	_ =	sdelay $0x3  }
0x34: {  	[smem:$0x3FBA] =	sst s10  }
0x35: {  	s10 =	sld [smem:$0x3FB9];
	_ =	sdelay $0x3  }
0x36: {  	p1 =	seq.s32 s10, $0x1;
	s10 =	sld [smem:$0x3FBA];
	_ =	sdelay $0x3  }
0x37: {  	[smem:$0x3FBA] =	sst s10  }
0x38: {  	s10 =	sld [smem:$0x3FBB]  }
0x39: {  	_ = 	snop;
	(pc) =	sbr.ind lr, $3  }
0x3a: {  	_ = 	snop  }
0x3b: {  	_ = 	snop  }
0x3c: {  	p2 =	seq.s32 s10, $0x1;
	s10 =	sld [smem:$0x3FBA]  }
0x3d: {  	_ =	shalt  }
0x3e: {  	_ =	shalt  }
0x3f: {  	_ =	shalt  }
0x40: {  	_ =	shalt  }
0x41: {  	_ =	shalt  }
0x42: {  	_ =	shalt  }
0x43: {  	_ =	shalt  }
0x44: {  	_ =	shalt  }
0x45: {  	_ =	shalt  }
0x46: {  	_ =	shalt  }
0x47: {  	_ =	shalt  }
0x48: {  	_ =	shalt  }
0x49: {  	_ =	shalt  }
0x4a: {  	_ =	shalt  }
0x4b: {  	_ =	shalt  }
0x4c: {  	_ =	shalt  }
0x4d: {  	_ =	shalt  }
0x4e: {  	_ =	shalt  }
0x4f: {  	_ =	shalt  }
0x50: {  	_ =	shalt  }
0x51: {  	_ =	shalt  }
0x52: {  	_ =	shalt  }
0x53: {  	_ =	shalt  }
0x54: {  	_ =	shalt  }
0x55: {  	_ =	shalt  }
0x56: {  	_ =	shalt  }
0x57: {  	_ =	shalt  }
0x58: {  	_ =	shalt  }
0x59: {  	_ =	shalt  }
0x5a: {  	_ =	shalt  }
0x5b: {  	_ =	shalt  }
0x5c: {  	_ =	shalt  }
0x5d: {  	_ =	shalt  }
0x5e: {  	_ =	shalt  }
0x5f: {  	_ =	shalt  }
0x60: {  	_ =	shalt  }
0x61: {  	_ =	shalt  }
0x62: {  	_ =	shalt  }
0x63: {  	_ =	shalt  }
0x64: {  	_ =	shalt  }
0x65: {  	_ =	shalt  }
0x66: {  	_ =	shalt  }
0x67: {  	_ =	shalt  }
0x68: {  	_ =	shalt  }
0x69: {  	_ =	shalt  }
0x6a: {  	_ =	shalt  }
0x6b: {  	_ =	shalt  }
0x6c: {  	_ =	shalt  }
0x6d: {  	_ =	shalt  }
0x6e: {  	_ =	shalt  }
0x6f: {  	_ =	shalt  }
0x70: {  	_ =	shalt  }
0x71: {  	_ =	shalt  }
0x72: {  	_ =	shalt  }
0x73: {  	_ =	shalt  }
0x74: {  	_ =	shalt  }
0x75: {  	_ =	shalt  }
0x76: {  	_ =	shalt  }
0x77: {  	_ =	shalt  }
0x78: {  	_ =	shalt  }
0x79: {  	_ =	shalt  }
0x7a: {  	_ =	shalt  }
0x7b: {  	_ =	shalt  }
0x7c: {  	_ =	shalt  }
0x7d: {  	_ =	shalt  }
0x7e: {  	_ =	shalt  }
0x7f: {  	_ =	shalt  }
0x80: {  	_ =	shalt  }
0x81: {  	_ =	shalt  }
0x82: {  	_ =	shalt  }
0x83: {  	_ =	shalt  }
0x84: {  	_ =	shalt  }
0x85: {  	_ =	shalt  }
0x86: {  	_ =	shalt  }
0x87: {  	_ =	shalt  }
.Lfunc_end0:
.L_simem_size_0:
called_computation_lowered:
.L_overlay_start_0:
0x88: {  	s2 =	sld [smem:$0x3FD9]  }
0x89: {  	s3 =	sld [smem:$0x3FFE];
	_ =	sdelay $0x1  }
0x8a: {  	s1 =	srdreg.scid  }
0x8b: {  	s0 =	sand.u32 $0x1, s1  }
0x8c: {  	s14 =	sshll.u32 s0, $0xA;
	s2 =	sadd.s32 s3, s2  }
0x8d: {  	s2 =	sadd.s32 s2, s14  }
0x8e: {  	[smem:$0x3FC6] =	sst s2  }
0x8f: {  	_ = 	snop  }
0x90: {  	s2 =	sld [smem:$0x3FD0];
	_ =	sdelay $0x2  }
0x91: {  	s15 =	simm.s32 $0xA;
	s4 =	simm.s32 $0x10  }
0x92: {  	[smem:s4], [sflag:s15] =	dma.local [hbm:s2], $0x1  }
0x93: {  	_ =	swait.eq [sflag:s15], $0x1  }
0x94: {  	[sflag:s15] =	ssyncset.done $0x0  }
0x95: {  	s16 =	sld [smem:$0x10];
	[sflag:s15] =	ssyncadd.s32 $0xFFFFFFFF  }
0x96: {  	s17 =	sld [smem:$0x11];
	(tm) =	ssettm $0x1  }
0x97: {  	s18 =	sld [smem:$0x3FFB];
	_ =	sdelay $0x3  }
0x98: {  	_ =	strace s18  }
0x99: {  	s4 =	sld [smem:$0x3FFC];
	_ =	sdelay $0x3  }
0x9a: {  	_ =	strace s4  }
0x9b: {  	s4 =	sld [smem:$0x3FFD];
	_ =	sdelay $0x3  }
0x9c: {  	_ =	strace s4  }
0x9d: {  	_ =	strace $0x8FFFFFFF  }
0x9e: {  	s19 =	sld [smem:$0x3FDB];
	_ =	sdelay $0x1  }
0x9f: {  	s5 =	simm.s32 $_scs_section_size  }
0xa0: {  	s6 =	simm.s32 $_size__tile_overlayer_lowered;
	s7 =	simm.s32 $_tile_overlayer_lowered  }
0xa1: {  	s22 =	simm.s32 $0x1BFF;
	s21 =	sshll.u32 s7, $0x1;
	s4 =	sadd.s32 s5, s19  }
0xa2: {  	s8 =	simm.s32 $0x0;
	s20 =	sshll.u32 s6, $0x1;
	s6 =	sadd.s32 s21, s4  }
0xa3: {  	[timem:s8], [sflag:s22] =	dma.local [hbm:s6], s20  }
0xa4: {  	_ =	swait.ge [sflag:s22], s20  }
0xa5: {  	s5 =	ssub.s32 $0x0, s20;
	[sflag:s22] =	ssyncset.done $0x0  }
0xa6: {  	[sflag:s22] =	ssyncadd.s32 s5;
	_ =	sdelay $0x1  }
0xa7: {  	s23 =	simm.s32 $0x1B8B  }
0xa8: {  	_ =	swait.ge [sflag:s23], $0x1  }
0xa9: {  	[sflag:s23] =	ssyncset.done $0x0  }
0xaa: {  	s25 =	simm.s32 $0x1B8E;
	s24 =	sld [smem:$0x3FFE];
	[sflag:s23] =	ssyncadd.s32 $0xFFFFFFFF  }
0xab: {  	s26 =	simm.s32 $execute0_lowered;
	[smem:$0x3FD2] =	sst s25  }
0xac: {  	s6 =	sshll.u32 s26, $0x1;
	_ =	strace $0x80000046;
	[dreg:$0x1] =	wrdreg $0xFFFFFFFF  }
0xad: {  	s28 =	simm.s32 $_size_execute0_lowered;
	s4 =	sadd.s32 s4, s6;
	[dreg:$0x0] =	wrdreg $0x0  }
0xae: {  	s6 =	sshll.u32 s28, $0x1;
	[dreg:$0x2] =	wrdreg s4  }
0xaf: {  	[dreg:$0x3] =	wrdreg s6  }
0xb0: {  	[dreg:$0x4] =	wrdreg $0xC0  }
0xb1: {  	_ =	task [dreg:s8], $0x5FFFF  }
0xb2: {  	[dreg:$0x1] =	wrdreg $0xFFFFFFFF  }
0xb3: {  	[dreg:$0x0] =	wrdreg $0x60  }
0xb4: {  	[dreg:$0x2] =	wrdreg s24  }
0xb5: {  	[dreg:$0x3] =	wrdreg s16  }
0xb6: {  	[dreg:$0x4] =	wrdreg s17  }
0xb7: {  	[dreg:$0x5] =	wrdreg $0x9  }
0xb8: {  	_ =	task.clear_ibuf [dreg:s8], $0x6FFFF;
	_ =	strace $0x90000046  }
0xb9: {  	s29 =	simm.s32 $0x9;
	_ =	strace $0x80000048  }
0xba: {  	_ =	swait.ge [sflag:s29], $0x1  }
0xbb: {  	[sflag:s29] =	ssyncadd.s32 $0xFFFFFFFF  }
0xbc: {  	_ =	strace $0x90000048  }
0xbd: {  	_ =	sfence  }
0xbe: {  	s30 =	sld [smem:$0x0];
	_ =	sdelay $0x2  }
0xbf: {  	s31 =	sshll.u32 s1, $0xD;
	s1 =	sshrl.u32 s1, $0x2  }
0xc0: {  	s3 =	sand.u32 $0x4000, s31;
	s1 =	sadd.s32 s1, s30  }
0xc1: {  	s0 =	sor.u32 s3, s0;
	s1 =	sshll.u32 s1, $0x11  }
0xc2: {  	s0 =	sor.u32 s1, s0  }
0xc3: {  	s0 =	sadd.s32 $0x8F2B, s0  }
0xc4: {  	[sflag:s0] =	ssyncadd.remote.s32 $0x1  }
0xc5: {  	_ =	sfence.sel $0xFFFF  }
0xc6: {  	[dreg:$0x0] =	wrdreg $0xFFFFFFFF;
	(pc) =	sbr.abs _section_cstart, $3  }
0xc7: {  	[dreg:$0x1] =	wrdreg $0xFFFFFFFF  }
0xc8: {  	_ =	task.clear_ibuf [dreg:s8], $0x2FFFF;
	_ =	strace $0x9FFFFFFF  }
0xc9: {  	(tm) =	ssettm $0x7FFFFFFF  }
tec
execute0_lowered:
.L_overlay_start_1:
0x0: {  	(tag) =	ssettag $0x1  }
0x1: {  	s3 =	rddreg [dreg:$0x0]  }
0x2: {  	s4 =	rddreg [dreg:$0x1]  }
0x3: {  	s5 =	rddreg [dreg:$0x2]  }
0x4: {  	s0 =	rddreg [dreg:$0x3];
	s6 =	srdreg.scid  }
0x5: {  	s2 =	simm.s32 $0x0;
	s1 =	stileid.u32;
	s11 =	simm.s32 $0x10000  }
0x6: {  	s12 =	simm.s32 $0x10800;
	s13 =	simm.s32 $0x11000;
	s6 =	sand.u32 $0x1, s6  }
0x7: {  	s14 =	simm.s32 $0x0;
	s7 =	sshll.u32 s1, $0xB;
	s8 =	sshll.u32 s6, $0xA  }
0x8: {  	[smem:$0x7FF] =	sst s2;
	s6 =	ssub.s32 $0x2, s6;
	s7 =	sor.u32 s8, s7  }
0x9: {  	_ =	strace $0x80000047;
	s10 =	sshrl.u32 s6, $0x1;
	s8 =	sadd.s32 s7, s3  }
0xa: {  	s9 =	sshrl.u32 s7, $0x3;
	s10 =	ssub.s32 s6, s10;
	s31 =	sshrl.u32 s7, $0x2  }
0xb: {  	s9 =	sadd.s32 s9, s3;
	s3 =	sadd.s32 $0x800, s8;
	s4 =	sadd.s32 s4, s31  }
0xc: {  	s5 =	sadd.s32 s5, s31;
	s7 =	smax.u32 s10, $0x1;
	s8 =	simm.s32 $0x2000  }
0xd: {  	v0 =	vimm.s32 $0x40;
	v49 =	vimm.s32 $0x0;
	s10 =	simm.s32 $0x1;
	s6 =	sadd.s32 $0x40800, s9;
	s9 =	simm.s32 $0x40000  }
.LBB2_1:
0xe: {  	[tilespmem:s2], [sflag:$0x1] =	stream.strided.gather [hbm4b:s3+s8], $0x10000, s9, s8, $0x38;
	[tilespmem:$0x11400] =	vst v63  }
0xf: {  	_ =	swait.ge [sflag:s10], $0x10000  }
0x10: {  	s15 =	simm.s32 $0x0;
	[sflag:s10] =	ssyncset.done $0x0  }
0x11: {  	s16 =	simm.s32 $0x11000;
	s17 =	simm.s32 $0x0;
	[sflag:s10] =	ssyncadd.s32 $0xFFFF0000  }
.LBB2_2:
0x12: {  	s19 =	sshll.u32 s17, $0x7  }
0x13: {  	s18 =	sand.u32 $0x70, s15;
	s19 =	sand.u32 $0x3FFFFC00, s19  }
0x14: {  	s19 =	sor.u32 s18, s19  }
0x15: {  	v52 =	vld [tilespmem:s19+$0x0]  }
0x16: {  	v12 =	vld [tilespmem:s19+$0x80];
	_ =	sdelay $0x1  }
0x17: {  	v19 =	vld [tilespmem:s19+$0x100];
	_ =	sdelay $0x1  }
0x18: {  	v21 =	vld [tilespmem:s19+$0x180]  }
0x19: {  	vm3 =	vgt.f32 v12, v52  }
0x1a: {  	v23 =	vld [tilespmem:s19+$0x200];
	v37 =	vsel vm3, v12, v52  }
0x1b: {  	vm4 =	vgt.f32 v19, v37  }
0x1c: {  	v25 =	vld [tilespmem:s19+$0x280];
	v38 =	vsel vm4, v19, v37  }
0x1d: {  	vm5 =	vgt.f32 v21, v38  }
0x1e: {  	v26 =	vld [tilespmem:s19+$0x300];
	v42 =	vsel vm5, v21, v38  }
0x1f: {  	vm6 =	vgt.f32 v23, v42  }
0x20: {  	v28 =	vld [tilespmem:s19+$0x380];
	v57 =	vsel vm6, v23, v42  }
0x21: {  	vm7 =	vgt.f32 v25, v57  }
0x22: {  	v29 =	vld [tilespmem:s19+$0x2000];
	v4 =	vsel vm7, v25, v57  }
0x23: {  	vm8 =	vgt.f32 v26, v4  }
0x24: {  	v32 =	vld [tilespmem:s19+$0x2080];
	v53 =	vsel vm8, v26, v4  }
0x25: {  	vm9 =	vgt.f32 v28, v53  }
0x26: {  	v34 =	vld [tilespmem:s19+$0x2100];
	v6 =	vsel vm9, v28, v53  }
0x27: {  	vm10 =	vgt.f32 v29, v6  }
0x28: {  	v35 =	vld [tilespmem:s19+$0x2180];
	v7 =	vsel vm10, v29, v6  }
0x29: {  	vm11 =	vgt.f32 v32, v7  }
0x2a: {  	v46 =	vld [tilespmem:s19+$0x2200];
	v8 =	vsel vm11, v32, v7  }
0x2b: {  	vm12 =	vgt.f32 v34, v8  }
0x2c: {  	v47 =	vld [tilespmem:s19+$0x2280];
	v60 =	vsel vm12, v34, v8  }
0x2d: {  	vm13 =	vgt.f32 v35, v60  }
0x2e: {  	v50 =	vld [tilespmem:s19+$0x2300];
	v9 =	vsel vm13, v35, v60  }
0x2f: {  	vm14 =	vgt.f32 v46, v9  }
0x30: {  	v51 =	vld [tilespmem:s19+$0x2380];
	v10 =	vsel vm14, v46, v9  }
0x31: {  	vm15 =	vgt.f32 v47, v10  }
0x32: {  	v55 =	vld [tilespmem:s19+$0x4000];
	v11 =	vsel vm15, v47, v10  }
0x33: {  	vm0 =	vgt.f32 v50, v11  }
0x34: {  	v1 =	vimm.s32 $0x0;
	v63 =	vld [tilespmem:s19+$0x4080];
	v13 =	vsel vm0, v50, v11  }
0x35: {  	v1 =	vsel vm0, $0xFFFFFFFF, v1;
	vm0 =	vgt.f32 v51, v13  }
0x36: {  	v62 =	vld [tilespmem:s19+$0x4100];
	[tilespmem:$0x1F950] =	vst v1;
	v1 =	vimm.s32 $0x0;
	v14 =	vsel vm0, v51, v13  }
0x37: {  	v1 =	vsel vm0, $0xFFFFFFFF, v1;
	vm0 =	vgt.f32 v55, v14  }
0x38: {  	v61 =	vld [tilespmem:s19+$0x4180];
	[tilespmem:$0x1F960] =	vst v1;
	v1 =	vimm.s32 $0x0;
	v58 =	vsel vm0, v55, v14  }
0x39: {  	v1 =	vsel vm0, $0xFFFFFFFF, v1;
	vm0 =	vgt.f32 v63, v58  }
0x3a: {  	v17 =	vld [tilespmem:s19+$0x4200];
	[tilespmem:$0x1F970] =	vst v1;
	v1 =	vimm.s32 $0x0;
	v15 =	vsel vm0, v63, v58  }
0x3b: {  	v1 =	vsel vm0, $0xFFFFFFFF, v1;
	vm0 =	vgt.f32 v62, v15  }
0x3c: {  	v20 =	vld [tilespmem:s19+$0x4280];
	[tilespmem:$0x1F980] =	vst v1;
	v1 =	vimm.s32 $0x0;
	v16 =	vsel vm0, v62, v15  }
0x3d: {  	v1 =	vsel vm0, $0xFFFFFFFF, v1;
	vm0 =	vgt.f32 v61, v16  }
0x3e: {  	v24 =	vld [tilespmem:s19+$0x4300];
	[tilespmem:$0x1F990] =	vst v1;
	v1 =	vimm.s32 $0x0;
	v18 =	vsel vm0, v61, v16  }
0x3f: {  	v1 =	vsel vm0, $0xFFFFFFFF, v1;
	vm0 =	vgt.f32 v17, v18  }
0x40: {  	v30 =	vld [tilespmem:s19+$0x4380];
	[tilespmem:$0x1F9A0] =	vst v1;
	v1 =	vimm.s32 $0x0;
	v22 =	vsel vm0, v17, v18  }
0x41: {  	v1 =	vsel vm0, $0xFFFFFFFF, v1;
	vm0 =	vgt.f32 v20, v22  }
0x42: {  	v33 =	vld [tilespmem:s19+$0x6000];
	[tilespmem:$0x1F9B0] =	vst v1;
	v1 =	vimm.s32 $0x0;
	v27 =	vsel vm0, v20, v22  }
0x43: {  	v1 =	vsel vm0, $0xFFFFFFFF, v1;
	vm0 =	vgt.f32 v24, v27  }
0x44: {  	v43 =	vld [tilespmem:s19+$0x6080];
	[tilespmem:$0x1F9C0] =	vst v1;
	v1 =	vimm.s32 $0x0;
	v31 =	vsel vm0, v24, v27  }
0x45: {  	v1 =	vsel vm0, $0xFFFFFFFF, v1;
	vm0 =	vgt.f32 v30, v31  }
0x46: {  	v45 =	vld [tilespmem:s19+$0x6100];
	[tilespmem:$0x1F9D0] =	vst v1;
	v1 =	vimm.s32 $0x0;
	v41 =	vsel vm0, v30, v31  }
0x47: {  	vm2 =	vlt.f32 v12, $-Inf;
	v1 =	vsel vm0, $0xFFFFFFFF, v1;
	vm0 =	vgt.f32 v33, v41  }
0x48: {  	v56 =	vld [tilespmem:s19+$0x6180];
	vm1 =	vgt.f32 v12, $-Inf;
	[tilespmem:$0x1F9E0] =	vst v1;
	v1 =	vimm.s32 $0x0;
	v44 =	vsel vm0, v33, v41  }
0x49: {  	vm1 =	vmor vm1, vm2;
	v1 =	vsel vm0, $0xFFFFFFFF, v1;
	vm0 =	vgt.f32 v43, v44  }
0x4a: {  	v2 =	vld [tilespmem:s19+$0x6200];
	v48 =	vsel vm3, $0x1, v49;
	[tilespmem:$0x1F9F0] =	vst v1;
	v1 =	vimm.s32 $0x0;
	v54 =	vsel vm0, v43, v44  }
0x4b: {  	v36 =	vsel vm1, $0x1, v0;
	v1 =	vsel vm0, $0xFFFFFFFF, v1;
	vm0 =	vgt.f32 v45, v54  }
0x4c: {  	v39 =	vnsel vm1, $0xFF800000, v12;
	[tilespmem:$0x1FA00] =	vst v1;
	v1 =	vimm.s32 $0x0;
	v59 =	vsel vm0, v45, v54  }
0x4d: {  	v3 =	vld [tilespmem:s19+$0x6280];
	v0 =	vimm.s32 $0x0;
	v1 =	vsel vm0, $0xFFFFFFFF, v1;
	vm0 =	vgt.f32 v56, v59  }
0x4e: {  	v40 =	vsel vm3, $0x0, v36;
	v39 =	vsel vm3, v52, v39;
	v36 =	vsel vm0, v56, v59  }
0x4f: {  	[tilespmem:$0x1FA10] =	vst v1;
	v1 =	vld [tilespmem:s19+$0x6300];
	v0 =	vsel vm0, $0xFFFFFFFF, v0;
	vm0 =	vgt.f32 v19, v39;
	vm2 =	vgt.f32 v2, v36  }
0x50: {  	[tilespmem:$0x1FA20] =	vst v0;
	v40 =	vsel vm0, $0x2, v40;
	v5 =	vsel vm0, v19, v39;
	v0 =	vimm.s32 $0x0  }
0x51: {  	v39 =	vsel vm2, v2, v36;
	v40 =	vsel vm4, v48, v40;
	v49 =	vsel vm4, v37, v5  }
0x52: {  	[tilespmem:$0x1FA30] =	vst v2;
	v2 =	vld [tilespmem:s19+$0x6380];
	v48 =	vsel vm4, $0x2, v48;
	vm0 =	vgt.f32 v3, v39;
	vm4 =	vgt.f32 v21, v49  }
0x53: {  	v0 =	vsel vm0, $0xFFFFFFFF, v0;
	v37 =	vsel vm0, v3, v39;
	v40 =	vsel vm4, $0x3, v40  }
0x54: {  	v5 =	vld [tilespmem:s19+$0x8000];
	v49 =	vsel vm4, v21, v49;
	[tilespmem:$0x1FA50] =	vst v0;
	vm4 =	vgt.f32 v1, v37;
	v0 =	vimm.s32 $0x0  }
0x55: {  	[tilespmem:$0x1FA40] =	vst v3;
	v3 =	vimm.s32 $0x0;
	v0 =	vsel vm4, $0xFFFFFFFF, v0  }
0x56: {  	v40 =	vsel vm5, v48, v40;
	[tilespmem:$0x1FA70] =	vst v0;
	v0 =	vsel vm5, v38, v49;
	v38 =	vsel vm4, v1, v37  }
0x57: {  	[tilespmem:$0x1FA60] =	vst v1;
	v48 =	vsel vm5, $0x3, v48;
	v1 =	vld [tilespmem:s19+$0x8080];
	vm5 =	vgt.f32 v23, v0;
	vm4 =	vgt.f32 v2, v38  }
0x58: {  	[tilespmem:$0x1FA80] =	vst v2;
	v3 =	vsel vm4, $0xFFFFFFFF, v3;
	v40 =	vsel vm5, $0x4, v40;
	v49 =	vsel vm4, v2, v38  }
0x59: {  	v0 =	vsel vm5, v23, v0;
	v2 =	vimm.s32 $0x0;
	[tilespmem:$0x1FA90] =	vst v3;
	v3 =	vld [tilespmem:s19+$0x8100];
	vm5 =	vgt.f32 v5, v49  }
0x5a: {  	v0 =	vsel vm6, v42, v0;
	v40 =	vsel vm6, v48, v40;
	v2 =	vsel vm5, $0xFFFFFFFF, v2  }
0x5b: {  	v42 =	vsel vm6, $0x4, v48;
	vm6 =	vgt.f32 v25, v0;
	[tilespmem:$0x1FAB0] =	vst v2;
	v2 =	vsel vm5, v5, v49  }
0x5c: {  	[tilespmem:$0x1FAA0] =	vst v5;
	v5 =	vld [tilespmem:s19+$0x8180];
	v0 =	vsel vm6, v25, v0;
	vm5 =	vgt.f32 v1, v2  }
0x5d: {  	v40 =	vsel vm6, $0x5, v40;
	[tilespmem:$0x1FAC0] =	vst v1;
	v57 =	vsel vm7, v57, v0;
	v0 =	vsel vm5, v1, v2  }
0x5e: {  	[tilespmem:$0x1FAD0] =	vst v2;
	v40 =	vsel vm7, v42, v40;
	v1 =	vimm.s32 $0x0;
	vm4 =	vgt.f32 v3, v0  }
0x5f: {  	v48 =	vld [tilespmem:s19+$0x8200];
	v42 =	vsel vm7, $0x5, v42;
	vm7 =	vgt.f32 v26, v57;
	[tilespmem:$0x1FB00] =	vst v0;
	v1 =	vsel vm4, $0xFFFFFFFF, v1  }
0x60: {  	v2 =	vimm.s32 $0x0;
	v0 =	vsel vm4, v3, v0;
	[tilespmem:$0x1FAF0] =	vst v1;
	v1 =	vsel vm7, v26, v57  }
0x61: {  	[tilespmem:$0x1FAE0] =	vst v3;
	v40 =	vsel vm7, $0x6, v40;
	vm6 =	vgt.f32 v5, v0;
	v1 =	vsel vm8, v4, v1  }
0x62: {  	v3 =	vsel vm8, v42, v40;
	[tilespmem:$0x1FB30] =	vst v0;
	v57 =	vld [tilespmem:s19+$0x8280];
	v2 =	vsel vm6, $0xFFFFFFFF, v2;
	vm7 =	vgt.f32 v28, v1  }
0x63: {  	v40 =	vsel vm8, $0x6, v42;
	[tilespmem:$0x1FB20] =	vst v2;
	v2 =	vsel vm6, v5, v0;
	v3 =	vsel vm7, $0x7, v3  }
0x64: {  	[tilespmem:$0x1FB10] =	vst v5;
	v5 =	vld [tilespmem:s19+$0x8300];
	v0 =	vsel vm7, v28, v1;
	vm8 =	vgt.f32 v48, v2;
	v1 =	vimm.s32 $0x0  }
0x65: {  	[tilespmem:$0x1FB60] =	vst v2;
	v1 =	vsel vm8, $0xFFFFFFFF, v1;
	v0 =	vsel vm9, v53, v0;
	v4 =	vsel vm8, v48, v2  }
0x66: {  	v53 =	vld [tilespmem:s19+$0x8380];
	v2 =	vsel vm9, $0x7, v40;
	[tilespmem:$0x1FB50] =	vst v1;
	v1 =	vsel vm9, v40, v3;
	vm9 =	vgt.f32 v29, v0  }
0x67: {  	vm4 =	vgt.f32 v57, v4;
	v1 =	vsel vm9, $0x8, v1;
	v0 =	vsel vm9, v29, v0  }
0x68: {  	v42 =	vld [tilespmem:s19+$0xA000];
	v40 =	vsel vm4, v57, v4;
	v0 =	vsel vm10, v6, v0;
	v3 =	vsel vm10, v2, v1  }
0x69: {  	vm3 =	vgt.f32 v5, v40;
	v2 =	vsel vm10, $0x8, v2;
	vm10 =	vgt.f32 v32, v0  }
0x6a: {  	[tilespmem:$0x1FBA0] =	vst v40;
	v1 =	vsel vm3, v5, v40;
	v40 =	vld [tilespmem:s19+$0xA080];
	v0 =	vsel vm10, v32, v0  }
0x6b: {  	[tilespmem:$0x1FB80] =	vst v4;
	v3 =	vsel vm10, $0x9, v3;
	vm9 =	vgt.f32 v53, v1;
	v0 =	vsel vm11, v7, v0  }
0x6c: {  	[tilespmem:$0x1FB90] =	vst v5;
	v5 =	vsel vm11, v2, v3;
	v3 =	vsel vm9, v53, v1;
	vm0 =	vgt.f32 v34, v0  }
0x6d: {  	v4 =	vld [tilespmem:s19+$0xA100];
	[tilespmem:$0x1FBC0] =	vst v1;
	v2 =	vsel vm11, $0x9, v2;
	vm8 =	vgt.f32 v42, v3;
	v1 =	vsel vm0, v34, v0  }
0x6e: {  	v5 =	vsel vm0, $0xA, v5;
	v0 =	vsel vm8, v42, v3;
	v6 =	vsel vm12, v8, v1  }
0x6f: {  	[tilespmem:$0x1FBE0] =	vst v3;
	v3 =	vld [tilespmem:s19+$0xA180];
	v8 =	vsel vm12, v2, v5;
	vm11 =	vgt.f32 v40, v0;
	v1 =	vimm.s32 $0x0  }
0x70: {  	[tilespmem:$0x1FC10] =	vst v0;
	v2 =	vsel vm12, $0xA, v2;
	v1 =	vsel vm11, $0xFFFFFFFF, v1;
	vm12 =	vgt.f32 v35, v6  }
0x71: {  	[tilespmem:$0x1FC00] =	vst v1;
	v1 =	vsel vm11, v40, v0;
	v0 =	vsel vm12, v35, v6  }
0x72: {  	[tilespmem:$0x1FBD0] =	vst v42;
	v5 =	vld [tilespmem:s19+$0xA200];
	v8 =	vsel vm12, $0xB, v8;
	vm11 =	vgt.f32 v4, v1;
	v0 =	vsel vm13, v60, v0  }
0x73: {  	[tilespmem:$0x1FBF0] =	vst v40;
	v40 =	vsel vm13, v2, v8;
	v2 =	vsel vm13, $0xB, v2;
	v42 =	vsel vm11, v4, v1  }
0x74: {  	[tilespmem:$0x1FC30] =	vst v1;
	v60 =	vld [tilespmem:s19+$0xA280];
	vm13 =	vgt.f32 v46, v0;
	v1 =	vimm.s32 $0x0;
	vm6 =	vgt.f32 v3, v42  }
0x75: {  	[tilespmem:$0x1FC60] =	vst v42;
	v0 =	vsel vm13, v46, v0;
	v1 =	vsel vm6, $0xFFFFFFFF, v1  }
0x76: {  	v8 =	vsel vm6, v3, v42;
	v42 =	vld [tilespmem:s19+$0xA300];
	v0 =	vsel vm14, v9, v0;
	[tilespmem:$0x1FC50] =	vst v1;
	v1 =	vsel vm13, $0xC, v40  }
0x77: {  	[tilespmem:$0x1FC40] =	vst v3;
	v9 =	vld [tilespmem:$0x1F950];
	vm10 =	vgt.f32 v5, v8;
	vm7 =	vgt.f32 v47, v0;
	v1 =	vsel vm14, v2, v1  }
0x78: {  	[tilespmem:$0x1FC70] =	vst v5;
	v2 =	vsel vm14, $0xC, v2;
	v3 =	vsel vm10, v5, v8;
	v5 =	vld [tilespmem:s19+$0xA380];
	v0 =	vsel vm7, v47, v0  }
0x79: {  	[tilespmem:$0x1FC20] =	vst v4;
	v1 =	vsel vm7, $0xD, v1;
	vm7 =	vgt.f32 v60, v3;
	v0 =	vsel vm15, v10, v0  }
0x7a: {  	[tilespmem:$0x1FC90] =	vst v3;
	v1 =	vsel vm15, v2, v1;
	v40 =	vsel vm7, v60, v3;
	v3 =	vld [tilespmem:s19+$0xC000];
	vm12 =	vgt.f32 v50, v0  }
0x7b: {  	v4 =	vld [tilespmem:s19+$0xC080];
	v2 =	vsel vm15, $0xD, v2;
	[tilespmem:$0x1FCA0] =	vst v42;
	vm6 =	vgt.f32 v42, v40;
	v1 =	vsel vm12, $0xE, v1  }
0x7c: {  	[tilespmem:$0x1FCB0] =	vst v40;
	v0 =	vsel vm12, v50, v0;
	vm0 =	vnez.u8 v9;
	v42 =	vsel vm6, v42, v40;
	v40 =	vld [tilespmem:$0x1F960]  }
0x7d: {  	v9 =	vimm.s32 $0x0;
	v0 =	vsel vm0, v11, v0;
	vm12 =	vgt.f32 v5, v42  }
0x7e: {  	v1 =	vsel vm0, v2, v1;
	v2 =	vsel vm0, $0xE, v2;
	[tilespmem:$0x1FCC0] =	vst v5;
	v10 =	vsel vm12, v5, v42  }
0x7f: {  	v11 =	vimm.s32 $0x0;
	[tilespmem:$0x1FCD0] =	vst v42;
	vm13 =	vgt.f32 v51, v0;
	v5 =	vld [tilespmem:s19+$0xC100];
	vm14 =	vgt.f32 v3, v10  }
0x80: {  	v1 =	vsel vm13, $0xF, v1;
	v0 =	vsel vm13, v51, v0;
	[tilespmem:$0x1FD00] =	vst v10;
	v42 =	vsel vm14, v3, v10;
	v10 =	vld [tilespmem:$0x1F970]  }
0x81: {  	[tilespmem:$0x1FCE0] =	vst v3;
	v7 =	vsel vm14, $0xFFFFFFFF, v11;
	v3 =	vld [tilespmem:s19+$0xC180];
	vm15 =	vnez.u8 v40;
	vm14 =	vgt.f32 v4, v42  }
0x82: {  	[tilespmem:$0x1FC80] =	vst v8;
	v0 =	vsel vm15, v13, v0;
	v1 =	vsel vm15, v2, v1;
	v2 =	vsel vm15, $0xF, v2  }
0x83: {  	v8 =	vld [tilespmem:$0x1F980];
	[tilespmem:$0x1FD10] =	vst v4;
	v6 =	vsel vm14, v4, v42;
	v4 =	vsel vm14, $0xFFFFFFFF, v9;
	vm0 =	vgt.f32 v55, v0  }
0x84: {  	v13 =	vimm.s32 $0x0;
	vm15 =	vgt.f32 v5, v6;
	v1 =	vsel vm0, $0x10, v1  }
0x85: {  	v0 =	vsel vm0, v55, v0;
	v11 =	vsel vm15, v5, v6;
	vm1 =	vnez.u8 v10  }
0x86: {  	[tilespmem:$0x1FD30] =	vst v5;
	v5 =	vsel vm15, $0xFFFFFFFF, v13;
	vm0 =	vgt.f32 v3, v11;
	v10 =	vld [tilespmem:$0x1F990];
	v0 =	vsel vm1, v14, v0  }
0x87: {  	[tilespmem:$0x1FD20] =	vst v42;
	v42 =	vld [tilespmem:s19+$0xC200];
	v1 =	vsel vm1, v2, v1;
	v2 =	vsel vm1, $0x10, v2;
	vm13 =	vgt.f32 v63, v0  }
0x88: {  	v1 =	vsel vm13, $0x11, v1;
	v0 =	vsel vm13, v63, v0;
	vm13 =	vnez.u8 v8  }
0x89: {  	v40 =	vld [tilespmem:s19+$0xC280];
	[tilespmem:$0x1FD50] =	vst v3;
	v14 =	vimm.s32 $0x0;
	v9 =	vsel vm0, v3, v11;
	v0 =	vsel vm13, v58, v0  }
0x8a: {  	[tilespmem:$0x1FF40] =	vst v5;
	v3 =	vimm.s32 $0x0;
	v5 =	vsel vm0, $0xFFFFFFFF, v14;
	vm0 =	vgt.f32 v62, v0  }
0x8b: {  	v1 =	vsel vm13, v2, v1;
	v58 =	vld [tilespmem:s19+$0xC300];
	vm1 =	vnez.u8 v10;
	v0 =	vsel vm0, v62, v0  }
0x8c: {  	[tilespmem:$0x1FF20] =	vst v4;
	v2 =	vsel vm13, $0x11, v2;
	vm13 =	vgt.f32 v42, v9;
	v0 =	vsel vm1, v15, v0;
	v15 =	vld [tilespmem:$0x1F9A0]  }
0x8d: {  	[tilespmem:$0x1FD60] =	vst v11;
	v3 =	vsel vm13, $0xFFFFFFFF, v3;
	v4 =	vsel vm13, v42, v9;
	v1 =	vsel vm0, $0x12, v1  }
0x8e: {  	v11 =	vimm.s32 $0x0;
	[tilespmem:$0x1FF80] =	vst v3;
	v3 =	vld [tilespmem:s19+$0xC380];
	vm13 =	vgt.f32 v40, v4;
	v1 =	vsel vm1, v2, v1  }
0x8f: {  	[tilespmem:$0x1FF60] =	vst v5;
	v5 =	vsel vm13, $0xFFFFFFFF, v11;
	v13 =	vsel vm13, v40, v4;
	vm13 =	vgt.f32 v61, v0  }
0x90: {  	v1 =	vsel vm13, $0x13, v1  }
0x91: {  	v0 =	vsel vm13, v61, v0;
	vm0 =	vgt.f32 v58, v13;
	vm13 =	vnez.u8 v15  }
0x92: {  	v2 =	vsel vm1, $0x12, v2;
	v0 =	vsel vm13, v16, v0;
	v16 =	vsel vm0, v58, v13  }
0x93: {  	v1 =	vsel vm13, v2, v1;
	v2 =	vsel vm13, $0x13, v2;
	vm13 =	vgt.f32 v3, v16  }
0x94: {  	[tilespmem:$0x1FDB0] =	vst v16;
	v15 =	vsel vm13, v3, v16;
	v16 =	vld [tilespmem:$0x1F9B0]  }
0x95: {  	[tilespmem:$0x1FD80] =	vst v4;
	v4 =	vld [tilespmem:s19+$0xE000]  }
0x96: {  	[tilespmem:$0x1FB40] =	vst v17  }
0x97: {  	[tilespmem:$0x1FD40] =	vst v6;
	v14 =	vimm.s32 $0x0  }
0x98: {  	[tilespmem:$0x1FFA0] =	vst v5;
	v6 =	vsel vm0, $0xFFFFFFFF, v14;
	v14 =	vimm.s32 $0x0;
	vm0 =	vgt.f32 v17, v0  }
0x99: {  	[tilespmem:$0x1FD90] =	vst v13;
	v5 =	vsel vm13, $0xFFFFFFFF, v14;
	v0 =	vsel vm0, v17, v0;
	vm1 =	vnez.u8 v16  }
0x9a: {  	[tilespmem:$0x1FFC0] =	vst v6;
	v17 =	vimm.s32 $0x0;
	vm13 =	vgt.f32 v4, v15;
	v0 =	vsel vm1, v18, v0  }
0x9b: {  	v13 =	vld [tilespmem:s19+$0xE080];
	[tilespmem:$0x1FFE0] =	vst v5;
	v6 =	vsel vm13, $0xFFFFFFFF, v17;
	v5 =	vsel vm13, v4, v15;
	vm13 =	vgt.f32 v20, v0  }
0x9c: {  	[tilespmem:$0x1FB70] =	vst v20;
	v0 =	vsel vm13, v20, v0;
	v20 =	vld [tilespmem:$0x1F9C0];
	_ =	sdelay $0x1  }
0x9d: {  	[tilespmem:$0x1FDA0] =	vst v3;
	v3 =	vld [tilespmem:s19+$0xE100]  }
0x9e: {  	v1 =	vsel vm0, $0x14, v1  }
0x9f: {  	v1 =	vsel vm1, v2, v1  }
0xa0: {  	vm0 =	vgt.f32 v13, v5;
	v1 =	vsel vm13, $0x15, v1;
	vm13 =	vnez.u8 v20  }
0xa1: {  	[tilespmem:$0x1FCF0] =	vst v7;
	v2 =	vsel vm1, $0x14, v2;
	v0 =	vsel vm13, v22, v0;
	v22 =	vsel vm0, v13, v5  }
0xa2: {  	v7 =	vld [tilespmem:s19+$0xE180];
	[tilespmem:$0x1FDE0] =	vst v15;
	v1 =	vsel vm13, v2, v1;
	v2 =	vsel vm13, $0x15, v2;
	vm13 =	vgt.f32 v3, v22  }
0xa3: {  	[tilespmem:$0x1FE20] =	vst v3;
	v15 =	vsel vm13, v3, v22;
	v3 =	vld [tilespmem:$0x1F9D0];
	_ =	sdelay $0x1  }
0xa4: {  	[tilespmem:$0x1FDC0] =	vst v4;
	v18 =	vimm.s32 $0x0  }
0xa5: {  	v14 =	vimm.s32 $0x0;
	[tilespmem:$0x1FE10] =	vst v5;
	v4 =	vsel vm0, $0xFFFFFFFF, v18;
	v18 =	vld [tilespmem:$0x1F9E0];
	vm0 =	vgt.f32 v24, v0  }
0xa6: {  	[tilespmem:$0x1FDF0] =	vst v13;
	v13 =	vld [tilespmem:s19+$0xE200];
	v5 =	vsel vm13, $0xFFFFFFFF, v14;
	v1 =	vsel vm0, $0x16, v1  }
0xa7: {  	v0 =	vsel vm0, v24, v0;
	vm13 =	vgt.f32 v7, v15;
	vm1 =	vnez.u8 v3  }
0xa8: {  	v16 =	vld [tilespmem:s19+$0xE280];
	[tilespmem:$0x1FE30] =	vst v5;
	v5 =	vsel vm13, v7, v15;
	v3 =	vimm.s32 $0x0;
	v0 =	vsel vm1, v27, v0  }
0xa9: {  	v1 =	vsel vm1, v2, v1;
	v3 =	vsel vm13, $0xFFFFFFFF, v3;
	vm13 =	vgt.f32 v30, v0  }
0xaa: {  	[tilespmem:$0x1FE50] =	vst v3;
	v3 =	vld [tilespmem:s19+$0xE300];
	v1 =	vsel vm13, $0x17, v1;
	v0 =	vsel vm13, v30, v0;
	vm13 =	vnez.u8 v18  }
0xab: {  	vm0 =	vgt.f32 v13, v5;
	v0 =	vsel vm13, v31, v0;
	v31 =	vld [tilespmem:$0x1F9F0]  }
0xac: {  	[tilespmem:$0x1FBB0] =	vst v30;
	v17 =	vimm.s32 $0x0;
	v20 =	vsel vm0, v13, v5;
	v2 =	vsel vm1, $0x16, v2;
	v30 =	vld [tilespmem:s19+$0xE380]  }
0xad: {  	[tilespmem:$0x1FDD0] =	vst v6;
	v1 =	vsel vm13, v2, v1;
	v2 =	vsel vm13, $0x17, v2;
	vm13 =	vgt.f32 v16, v20  }
0xae: {  	[tilespmem:$0x1FE40] =	vst v22;
	v22 =	vimm.s32 $0x0;
	v6 =	vsel vm0, $0xFFFFFFFF, v17;
	v27 =	vsel vm13, v16, v20  }
0xaf: {  	v11 =	vld [tilespmem:$0x1FA20];
	[tilespmem:$0x1FE90] =	vst v5;
	vm0 =	vgt.f32 v33, v0;
	v5 =	vsel vm13, $0xFFFFFFFF, v22;
	vm13 =	vgt.f32 v3, v27  }
0xb0: {  	v1 =	vsel vm0, $0x18, v1;
	vm1 =	vnez.u8 v31;
	v31 =	vsel vm13, v3, v27  }
0xb1: {  	v0 =	vsel vm0, v33, v0;
	[tilespmem:$0x1FED0] =	vst v3;
	v3 =	vimm.s32 $0x0;
	vm0 =	vgt.f32 v30, v31  }
0xb2: {  	v8 =	vimm.s32 $0x0;
	[tilespmem:$0x1FE00] =	vst v4;
	v3 =	vsel vm0, $0xFFFFFFFF, v3  }
0xb3: {  	v4 =	vsel vm13, $0xFFFFFFFF, v8;
	v0 =	vsel vm1, v41, v0;
	v1 =	vsel vm1, v2, v1;
	[tilespmem:$0x1FF00] =	vst v3;
	v3 =	vld [tilespmem:$0x1FA00]  }
0xb4: {  	[tilespmem:$0x1FEF0] =	vst v27;
	v2 =	vsel vm1, $0x18, v2;
	vm1 =	vnez.u8 v11;
	v27 =	vsel vm0, v30, v31  }
0xb5: {  	[tilespmem:$0x1FD70] =	vst v9;
	vm13 =	vgt.f32 v43, v0;
	v9 =	vsub.f32 v12, v27;
	v12 =	vsub.f32 v21, v27  }
0xb6: {  	v10 =	vld [tilespmem:$0x1FA10];
	[tilespmem:$0x1FEA0] =	vst v16;
	v1 =	vsel vm13, $0x19, v1;
	v16 =	vsub.f32 v25, v27;
	v21 =	vsub.f32 v28, v27  }
0xb7: {  	v0 =	vsel vm13, v43, v0;
	v41 =	vsub.f32 v47, v27;
	v51 =	vsub.f32 v51, v27  }
0xb8: {  	[tilespmem:$0x1FEE0] =	vst v4;
	v4 =	vmul.f32 $1.442695020e+00, v9;
	vm13 =	vnez.u8 v3;
	v3 =	vsub.f32 v52, v27  }
0xb9: {  	v47 =	vmul.f32 $1.442695020e+00, v41;
	v0 =	vsel vm13, v44, v0;
	v1 =	vsel vm13, v2, v1  }
0xba: {  	v2 =	vsel vm13, $0x19, v2;
	vm13 =	vgt.f32 v45, v0;
	v3 =	vmul.f32 $1.442695020e+00, v3  }
0xbb: {  	v1 =	vsel vm13, $0x1A, v1;
	v0 =	vsel vm13, v45, v0;
	vm13 =	vnez.u8 v10  }
0xbc: {  	v14 =	vld [tilespmem:$0x1FA30];
	v10 =	vsub.f32 v55, v27;
	v0 =	vsel vm13, v54, v0;
	v1 =	vsel vm13, v2, v1  }
0xbd: {  	v2 =	vsel vm13, $0x1A, v2;
	(erf) = vpow2.f32 v3;
	v3 =	vsub.f32 v19, v27  }
0xbe: {  	v19 =	vsub.f32 v26, v27;
	vm13 =	vgt.f32 v56, v0;
	(erf) = vpow2.f32 v4  }
0xbf: {  	v0 =	vsel vm13, v56, v0;
	v1 =	vsel vm13, $0x1B, v1;
	v3 =	vmul.f32 $1.442695020e+00, v3  }
0xc0: {  	v25 =	vld [tilespmem:$0x1FA90];
	v0 =	vsel vm1, v59, v0;
	v1 =	vsel vm1, v2, v1;
	v2 =	vsel vm1, $0x1B, v2  }
0xc1: {  	[tilespmem:$0x1FE60] =	vst v15;
	v15 =	vld [tilespmem:$0x1FA40];
	vm13 =	vgt.f32 v14, v0;
	(erf) = vpow2.f32 v3;
	v3 =	vmul.f32 $1.442695020e+00, v12  }
0xc2: {  	[tilespmem:$0x1FE70] =	vst v13;
	v13 =	vld [tilespmem:$0x1FA50];
	v12 =	vsub.f32 v63, v27;
	v0 =	vsel vm13, v14, v0;
	v1 =	vsel vm13, $0x1C, v1  }
0xc3: {  	v0 =	vsel vm2, v36, v0;
	v1 =	vsel vm2, v2, v1;
	v2 =	vsel vm2, $0x1C, v2  }
0xc4: {  	v8 =	vld [tilespmem:$0x1FA60];
	(erf) = vpow2.f32 v3;
	v3 =	vsub.f32 v23, v27;
	v23 =	vsub.f32 v29, v27  }
0xc5: {  	vm2 =	vnez.u8 v25;
	v29 =	vsub.f32 v34, v27;
	v36 =	vsub.f32 v35, v27  }
0xc6: {  	v18 =	vld [tilespmem:$0x1FA70];
	v25 =	vsub.f32 v61, v27;
	v61 =	vsub.f32 v56, v27;
	vm13 =	vgt.f32 v15, v0  }
0xc7: {  	v1 =	vsel vm13, $0x1D, v1;
	v0 =	vsel vm13, v15, v0;
	vm13 =	vnez.u8 v13  }
0xc8: {  	v3 =	vmul.f32 $1.442695020e+00, v3;
	v26 =	vmul.f32 $1.442695020e+00, v23;
	v0 =	vsel vm13, v39, v0  }
0xc9: {  	v9 =	vld [tilespmem:$0x1FA80];
	v1 =	vsel vm13, v2, v1;
	v2 =	vsel vm13, $0x1D, v2;
	v17 =	vpop (erf);
	vm13 =	vgt.f32 v8, v0  }
0xca: {  	[tilespmem:$0x1FEB0] =	vst v5;
	v5 =	vadd.f32 $0.0e+00, v17;
	(erf) = vpow2.f32 v3;
	v3 =	vmul.f32 $1.442695020e+00, v16  }
0xcb: {  	v0 =	vsel vm13, v8, v0;
	v1 =	vsel vm13, $0x1E, v1;
	vm13 =	vnez.u8 v18  }
0xcc: {  	[tilespmem:$0x1FEC0] =	vst v20;
	v20 =	vpop (erf);
	v0 =	vsel vm13, v37, v0;
	(erf) = vpow2.f32 v3;
	v3 =	vmul.f32 $1.442695020e+00, v19  }
0xcd: {  	v1 =	vsel vm13, v2, v1;
	v2 =	vsel vm13, $0x1E, v2;
	v5 =	vadd.f32 v5, v20  }
0xce: {  	v20 =	vld [tilespmem:$0x1FAA0];
	v22 =	vpop (erf);
	vm13 =	vgt.f32 v9, v0;
	(erf) = vpow2.f32 v3;
	v3 =	vmul.f32 $1.442695020e+00, v21  }
0xcf: {  	v5 =	vadd.f32 v5, v22;
	v0 =	vsel vm13, v9, v0;
	v1 =	vsel vm13, $0x1F, v1  }
0xd0: {  	v22 =	vsub.f32 v62, v27;
	v28 =	vpop (erf);
	(erf) = vpow2.f32 v3;
	v3 =	vsub.f32 v32, v27;
	v32 =	vld [tilespmem:$0x1FAB0]  }
0xd1: {  	v62 =	vmul.f32 $1.442695020e+00, v61;
	v0 =	vsel vm2, v38, v0;
	v1 =	vsel vm2, v2, v1  }
0xd2: {  	v16 =	vld [tilespmem:$0x1FAC0];
	v2 =	vsel vm2, $0x1F, v2;
	v38 =	vsub.f32 v46, v27;
	v5 =	vadd.f32 v5, v28  }
0xd3: {  	(erf) = vpow2.f32 v26;
	vm13 =	vgt.f32 v20, v0;
	v3 =	vmul.f32 $1.442695020e+00, v3;
	v34 =	vpop (erf)  }
0xd4: {  	v0 =	vsel vm13, v20, v0;
	v1 =	vsel vm13, $0x20, v1;
	v5 =	vadd.f32 v5, v34  }
0xd5: {  	v44 =	vld [tilespmem:$0x1FAD0];
	(erf) = vpow2.f32 v3;
	v3 =	vmul.f32 $1.442695020e+00, v29;
	vm13 =	vnez.u8 v32  }
0xd6: {  	v0 =	vsel vm13, v49, v0;
	v1 =	vsel vm13, v2, v1;
	v2 =	vsel vm13, $0x20, v2  }
0xd7: {  	v54 =	vld [tilespmem:$0x1FAF0];
	v37 =	vpop (erf);
	(erf) = vpow2.f32 v3;
	v3 =	vmul.f32 $1.442695020e+00, v36;
	vm13 =	vgt.f32 v16, v0  }
0xd8: {  	v17 =	vld [tilespmem:$0x1FAE0];
	v28 =	vmul.f32 $1.442695020e+00, v25;
	v5 =	vadd.f32 v5, v37;
	v1 =	vsel vm13, $0x21, v1  }
0xd9: {  	v39 =	vpop (erf);
	v0 =	vsel vm13, v16, v0;
	(erf) = vpow2.f32 v3;
	v3 =	vmul.f32 $1.442695020e+00, v38  }
0xda: {  	v5 =	vadd.f32 v5, v39;
	v38 =	vsub.f32 v24, v27;
	v0 =	vsel vm5, v44, v0  }
0xdb: {  	v59 =	vld [tilespmem:$0x1FB00];
	v46 =	vpop (erf);
	v1 =	vsel vm5, v2, v1;
	(erf) = vpow2.f32 v3;
	v3 =	vsub.f32 v50, v27  }
0xdc: {  	v18 =	vld [tilespmem:$0x1FB10];
	v2 =	vsel vm5, $0x21, v2;
	vm5 =	vnez.u8 v54;
	v54 =	vsub.f32 v45, v27  }
0xdd: {  	v19 =	vld [tilespmem:$0x1FB20];
	v4 =	vadd.f32 v5, v46;
	vm13 =	vgt.f32 v17, v0;
	v3 =	vmul.f32 $1.442695020e+00, v3  }
0xde: {  	v35 =	vld [tilespmem:$0x1FB70];
	v50 =	vpop (erf);
	(erf) = vpow2.f32 v47;
	v0 =	vsel vm13, v17, v0;
	v1 =	vsel vm13, $0x22, v1  }
0xdf: {  	v21 =	vld [tilespmem:$0x1FB30];
	v4 =	vadd.f32 v4, v50;
	v52 =	vpop (erf);
	(erf) = vpow2.f32 v3;
	v3 =	vmul.f32 $1.442695020e+00, v51  }
0xe0: {  	v0 =	vsel vm5, v59, v0;
	v1 =	vsel vm5, v2, v1;
	v2 =	vsel vm5, $0x22, v2  }
0xe1: {  	v32 =	vld [tilespmem:$0x1FB50];
	vm13 =	vgt.f32 v18, v0;
	v11 =	vpop (erf);
	(erf) = vpow2.f32 v3;
	v3 =	vmul.f32 $1.442695020e+00, v10  }
0xe2: {  	vm5 =	vnez.u8 v19;
	v4 =	vadd.f32 v4, v52;
	v1 =	vsel vm13, $0x23, v1  }
0xe3: {  	v34 =	vld [tilespmem:$0x1FB60];
	v0 =	vsel vm13, v18, v0;
	v13 =	vpop (erf);
	(erf) = vpow2.f32 v3;
	v3 =	vmul.f32 $1.442695020e+00, v12  }
0xe4: {  	v5 =	vsub.f32 v35, v27;
	v0 =	vsel vm5, v21, v0;
	v1 =	vsel vm5, v2, v1  }
0xe5: {  	v4 =	vadd.f32 v4, v11;
	v23 =	vpop (erf);
	(erf) = vpow2.f32 v3;
	v3 =	vmul.f32 $1.442695020e+00, v22  }
0xe6: {  	v37 =	vld [tilespmem:$0x1FB80];
	v2 =	vsel vm5, $0x23, v2;
	vm5 =	vnez.u8 v32;
	vm13 =	vgt.f32 v48, v0  }
0xe7: {  	v0 =	vsel vm13, v48, v0;
	v4 =	vadd.f32 v4, v13;
	v26 =	vpop (erf);
	(erf) = vpow2.f32 v3;
	v3 =	vld [tilespmem:$0x1FB40]  }
0xe8: {  	v47 =	vsub.f32 v33, v27;
	v1 =	vsel vm13, $0x24, v1;
	v0 =	vsel vm5, v34, v0  }
0xe9: {  	v1 =	vsel vm5, v2, v1;
	vm13 =	vgt.f32 v57, v0;
	v4 =	vadd.f32 v4, v23  }
0xea: {  	v2 =	vsel vm5, $0x24, v2;
	v34 =	vsub.f32 v9, v27;
	v0 =	vsel vm13, v57, v0;
	v22 =	vld [tilespmem:$0x1FB90]  }
0xeb: {  	v1 =	vsel vm13, $0x25, v1;
	v23 =	vsub.f32 v15, v27;
	v4 =	vadd.f32 v4, v26  }
0xec: {  	v44 =	vld [tilespmem:$0x1FBA0];
	v0 =	vsel vm4, v37, v0;
	v1 =	vsel vm4, v2, v1;
	v29 =	vpop (erf);
	v3 =	vsub.f32 v3, v27  }
0xed: {  	v2 =	vsel vm4, $0x25, v2;
	v26 =	vsub.f32 v8, v27;
	v4 =	vadd.f32 v4, v29  }
0xee: {  	v37 =	vsub.f32 v20, v27;
	(erf) = vpow2.f32 v28;
	v36 =	vpop (erf);
	v3 =	vmul.f32 $1.442695020e+00, v3  }
0xef: {  	v28 =	vld [tilespmem:$0x1FC50];
	v33 =	vmul.f32 $1.442695020e+00, v26;
	vm5 =	vgt.f32 v22, v0;
	v4 =	vadd.f32 v4, v36  }
0xf0: {  	v12 =	vld [tilespmem:$0x1FC00];
	v0 =	vsel vm5, v22, v0;
	(erf) = vpow2.f32 v3;
	v3 =	vmul.f32 $1.442695020e+00, v5  }
0xf1: {  	v51 =	vld [tilespmem:$0x1FBC0];
	v1 =	vsel vm5, $0x26, v1;
	v36 =	vmul.f32 $1.442695020e+00, v34;
	v0 =	vsel vm3, v44, v0  }
0xf2: {  	v21 =	vld [tilespmem:$0x1FBF0];
	v39 =	vpop (erf);
	v1 =	vsel vm3, v2, v1;
	(erf) = vpow2.f32 v3;
	v3 =	vmul.f32 $1.442695020e+00, v38  }
0xf3: {  	v13 =	vld [tilespmem:$0x1FBD0];
	v2 =	vsel vm3, $0x26, v2;
	v4 =	vadd.f32 v4, v39;
	vm13 =	vgt.f32 v53, v0  }
0xf4: {  	vm2 =	vnez.u8 v28;
	v41 =	vpop (erf);
	v0 =	vsel vm13, v53, v0;
	(erf) = vpow2.f32 v3;
	v3 =	vld [tilespmem:$0x1FBB0]  }
0xf5: {  	v59 =	vld [tilespmem:$0x1FBE0];
	v1 =	vsel vm13, $0x27, v1;
	vm13 =	vnez.u8 v12;
	v4 =	vadd.f32 v4, v41  }
0xf6: {  	v0 =	vsel vm9, v51, v0;
	v1 =	vsel vm9, v2, v1;
	v2 =	vsel vm9, $0x27, v2  }
0xf7: {  	v41 =	vmul.f32 $1.442695020e+00, v37;
	v37 =	vsub.f32 v21, v27;
	v46 =	vpop (erf);
	v5 =	vmul.f32 $1.442695020e+00, v47  }
0xf8: {  	v19 =	vld [tilespmem:$0x1FC10];
	vm4 =	vgt.f32 v13, v0;
	v47 =	vsub.f32 v17, v27;
	v4 =	vadd.f32 v4, v46  }
0xf9: {  	v0 =	vsel vm4, v13, v0;
	v1 =	vsel vm4, $0x28, v1;
	v3 =	vsub.f32 v3, v27  }
0xfa: {  	v17 =	vld [tilespmem:$0x1FCA0];
	v0 =	vsel vm8, v59, v0;
	v1 =	vsel vm8, v2, v1;
	v2 =	vsel vm8, $0x28, v2  }
0xfb: {  	v50 =	vpop (erf);
	v51 =	vmul.f32 $1.442695020e+00, v47;
	vm3 =	vgt.f32 v21, v0;
	v3 =	vmul.f32 $1.442695020e+00, v3  }
0xfc: {  	v4 =	vadd.f32 v4, v50;
	v0 =	vsel vm3, v21, v0;
	v1 =	vsel vm3, $0x29, v1  }
0xfd: {  	v0 =	vsel vm13, v19, v0;
	v19 =	vld [tilespmem:$0x1FC40];
	v52 =	vpop (erf);
	(erf) = vpow2.f32 v3;
	v3 =	vsub.f32 v43, v27  }
0xfe: {  	vm3 =	vmmov vm13;
	v1 =	vsel vm13, v2, v1;
	v4 =	vadd.f32 v4, v52  }
0xff: {  	v2 =	vsel vm3, $0x29, v2;
	v11 =	vsub.f32 v17, v27;
	v55 =	vpop (erf);
	v3 =	vmul.f32 $1.442695020e+00, v3  }
0x100: {  	v52 =	vsub.f32 v18, v27;
	v4 =	vadd.f32 v4, v55;
	(erf) = vpow2.f32 v5  }
0x101: {  	v55 =	vsub.f32 v48, v27;
	(erf) = vpow2.f32 v3;
	v3 =	vmul.f32 $1.442695020e+00, v54  }
0x102: {  	[tilespmem:$0x1FE80] =	vst v6;
	v6 =	vmul.f32 $1.442695020e+00, v52;
	v48 =	vsub.f32 v19, v27;
	v43 =	vsub.f32 v16, v27  }
0x103: {  	v63 =	vpop (erf);
	v16 =	vsub.f32 v22, v27;
	(erf) = vpow2.f32 v3;
	v3 =	vsub.f32 v14, v27;
	v14 =	vld [tilespmem:$0x1FC20]  }
0x104: {  	v5 =	vmul.f32 $1.442695020e+00, v23;
	v23 =	vsub.f32 v53, v27;
	v53 =	vmul.f32 $1.442695020e+00, v48  }
0x105: {  	v24 =	vld [tilespmem:$0x1FC30];
	(erf) = vpow2.f32 v62;
	v62 =	vsub.f32 v57, v27;
	v3 =	vmul.f32 $1.442695020e+00, v3  }
0x106: {  	v4 =	vadd.f32 v4, v63;
	v44 =	vmul.f32 $1.442695020e+00, v43;
	v22 =	vmul.f32 $1.442695020e+00, v16  }
0x107: {  	v26 =	vmul.f32 $1.442695020e+00, v23;
	v57 =	vsub.f32 v60, v27;
	v25 =	vpop (erf);
	v12 =	vmul.f32 $1.442695020e+00, v62  }
0x108: {  	v4 =	vadd.f32 v4, v25;
	(erf) = vpow2.f32 v3;
	vm0 =	vgt.f32 v14, v0  }
0x109: {  	v29 =	vld [tilespmem:$0x1FC60];
	v0 =	vsel vm0, v14, v0;
	v3 =	vpop (erf);
	(erf) = vpow2.f32 v5;
	v1 =	vsel vm0, $0x2A, v1  }
0x10a: {  	v15 =	vld [tilespmem:$0x1FC70];
	v0 =	vsel vm11, v24, v0;
	v3 =	vadd.f32 v4, v3;
	v32 =	vpop (erf);
	(erf) = vpow2.f32 v33  }
0x10b: {  	v38 =	vld [tilespmem:$0x1FC80];
	v4 =	vmul.f32 $1.442695020e+00, v55;
	v1 =	vsel vm11, v2, v1;
	vm1 =	vgt.f32 v19, v0  }
0x10c: {  	v24 =	vld [tilespmem:$0x1FCF0];
	v2 =	vsel vm11, $0x2A, v2;
	v33 =	vimm.s32 $0x0;
	v0 =	vsel vm1, v19, v0  }
0x10d: {  	v62 =	vld [tilespmem:$0x1FF80];
	v3 =	vadd.f32 v3, v32;
	v35 =	vpop (erf);
	(erf) = vpow2.f32 v36;
	v1 =	vsel vm1, $0x2B, v1  }
0x10e: {  	v0 =	vsel vm2, v29, v0;
	v39 =	vpop (erf);
	(erf) = vpow2.f32 v41;
	v29 =	vsub.f32 v13, v27  }
0x10f: {  	v16 =	vld [tilespmem:$0x1FFA0];
	v1 =	vsel vm2, v2, v1;
	v2 =	vsel vm2, $0x2B, v2;
	vm5 =	vgt.f32 v15, v0  }
0x110: {  	v41 =	vimm.s32 $0x0;
	v3 =	vadd.f32 v3, v35;
	v0 =	vsel vm5, v15, v0  }
0x111: {  	v45 =	vld [tilespmem:$0x1FC90];
	vm0 =	vnez.u8 v24;
	v36 =	vmul.f32 $1.442695020e+00, v29;
	v1 =	vsel vm5, $0x2C, v1  }
0x112: {  	vm5 =	vnez.u8 v62;
	v0 =	vsel vm10, v38, v0;
	v3 =	vadd.f32 v3, v39  }
0x113: {  	v46 =	vpop (erf);
	(erf) = vpow2.f32 v44;
	v1 =	vsel vm10, v2, v1;
	vm4 =	vgt.f32 v60, v0  }
0x114: {  	v2 =	vsel vm10, $0x2C, v2;
	vm10 =	vnez.u8 v16;
	v0 =	vsel vm4, v60, v0  }
0x115: {  	v54 =	vld [tilespmem:$0x1FCB0];
	v3 =	vadd.f32 v3, v46;
	v50 =	vpop (erf);
	(erf) = vpow2.f32 v51;
	v51 =	vimm.s32 $0x0  }
0x116: {  	v60 =	vimm.s32 $0x0;
	v1 =	vsel vm4, $0x2D, v1;
	v0 =	vsel vm7, v45, v0  }
0x117: {  	v20 =	vld [tilespmem:$0x1FCC0];
	v56 =	vpop (erf);
	(erf) = vpow2.f32 v6;
	v45 =	vsub.f32 v14, v27;
	v1 =	vsel vm7, v2, v1  }
0x118: {  	v13 =	vld [tilespmem:$0x1FE50];
	v2 =	vsel vm7, $0x2D, v2;
	vm8 =	vgt.f32 v17, v0;
	v3 =	vadd.f32 v3, v50  }
0x119: {  	v0 =	vsel vm8, v17, v0;
	v61 =	vpop (erf);
	(erf) = vpow2.f32 v4;
	v4 =	vmul.f32 $1.442695020e+00, v37  }
0x11a: {  	v59 =	vld [tilespmem:$0x1FCD0];
	v47 =	vmul.f32 $1.442695020e+00, v45;
	v1 =	vsel vm8, $0x2E, v1;
	v0 =	vsel vm6, v54, v0  }
0x11b: {  	v8 =	vld [tilespmem:$0x1FCE0];
	v3 =	vadd.f32 v3, v56;
	v63 =	vpop (erf);
	(erf) = vpow2.f32 v12;
	v54 =	vsub.f32 v15, v27  }
0x11c: {  	v12 =	vimm.s32 $0x0;
	v15 =	vsub.f32 v20, v27;
	v1 =	vsel vm6, v2, v1  }
0x11d: {  	v2 =	vsel vm6, $0x2E, v2;
	vm6 =	vnez.u8 v13;
	vm9 =	vgt.f32 v20, v0  }
0x11e: {  	v25 =	vld [tilespmem:$0x1FD00];
	v0 =	vsel vm9, v20, v0;
	v3 =	vadd.f32 v3, v61;
	v20 =	vimm.s32 $0x0  }
0x11f: {  	v32 =	vld [tilespmem:$0x1FD10];
	v1 =	vsel vm9, $0x2F, v1;
	v0 =	vsel vm12, v59, v0;
	v18 =	vpop (erf);
	(erf) = vpow2.f32 v22  }
0x120: {  	v59 =	vmul.f32 $1.442695020e+00, v54;
	v22 =	vsub.f32 v8, v27;
	v54 =	vsub.f32 v40, v27  }
0x121: {  	v1 =	vsel vm12, v2, v1;
	v2 =	vsel vm12, $0x2F, v2;
	vm13 =	vgt.f32 v8, v0  }
0x122: {  	v34 =	vld [tilespmem:$0x1FD20];
	v3 =	vadd.f32 v3, v63;
	v0 =	vsel vm13, v8, v0;
	v28 =	vpop (erf);
	(erf) = vpow2.f32 v26  }
0x123: {  	v43 =	vld [tilespmem:$0x1FD40];
	v26 =	vmul.f32 $1.442695020e+00, v22;
	v1 =	vsel vm13, $0x30, v1;
	v0 =	vsel vm0, v25, v0  }
0x124: {  	v39 =	vld [tilespmem:$0x1FD30];
	v3 =	vadd.f32 v3, v18;
	v35 =	vpop (erf);
	(erf) = vpow2.f32 v36;
	vm11 =	vgt.f32 v32, v0  }
0x125: {  	v23 =	vld [tilespmem:$0x1FFC0];
	v1 =	vsel vm0, v2, v1;
	v2 =	vsel vm0, $0x30, v2;
	v9 =	vsel vm11, $0xFFFFFFFF, v33  }
0x126: {  	v50 =	vld [tilespmem:$0x1FD50];
	v3 =	vadd.f32 v3, v28;
	v0 =	vsel vm11, v32, v0;
	v38 =	vpop (erf);
	(erf) = vpow2.f32 v4  }
0x127: {  	v55 =	vld [tilespmem:$0x1FF60];
	v4 =	vmul.f32 $1.442695020e+00, v57;
	v28 =	vsub.f32 v32, v27;
	v32 =	vimm.s32 $0x0  }
0x128: {  	v57 =	vsub.f32 v58, v27;
	v0 =	vsel vm14, v34, v0;
	v3 =	vadd.f32 v3, v35  }
0x129: {  	v24 =	vld [tilespmem:$0x1FD90];
	vm11 =	vgt.f32 v39, v0;
	v34 =	vmul.f32 $1.442695020e+00, v28;
	v35 =	vsub.f32 v39, v27  }
0x12a: {  	v36 =	vld [tilespmem:$0x1FFE0];
	v6 =	vsel vm11, $0xFFFFFFFF, v41;
	v0 =	vsel vm11, v39, v0;
	vm11 =	vnez.u8 v23  }
0x12b: {  	v56 =	vld [tilespmem:$0x1FD60];
	v44 =	vpop (erf);
	v41 =	vsub.f32 v50, v27;
	v3 =	vadd.f32 v3, v38;
	v0 =	vsel vm15, v43, v0  }
0x12c: {  	v63 =	vld [tilespmem:$0x1FD70];
	v46 =	vpop (erf);
	(erf) = vpow2.f32 v47;
	vm15 =	vnez.u8 v55;
	v39 =	vmul.f32 $1.442695020e+00, v35  }
0x12d: {  	v55 =	vld [tilespmem:$0x1FE00];
	vm14 =	vgt.f32 v50, v0;
	v45 =	vmul.f32 $1.442695020e+00, v41;
	v3 =	vadd.f32 v3, v44  }
0x12e: {  	[tilespmem:$0x1FF10] =	vst v9;
	v35 =	vld [tilespmem:$0x1FED0];
	v9 =	vsel vm14, $0xFFFFFFFF, v51;
	v0 =	vsel vm14, v50, v0;
	v52 =	vpop (erf);
	(erf) = vpow2.f32 v53  }
0x12f: {  	v29 =	vld [tilespmem:$0x1FDA0];
	vm14 =	vnez.u8 v36;
	v44 =	vimm.s32 $0x0;
	v50 =	vsub.f32 v42, v27  }
0x130: {  	v51 =	vld [tilespmem:$0x1FDF0];
	v0 =	vsel vm15, v56, v0;
	v61 =	vpop (erf);
	(erf) = vpow2.f32 v59;
	v3 =	vadd.f32 v3, v46  }
0x131: {  	v17 =	vld [tilespmem:$0x1FD80];
	vm1 =	vgt.f32 v42, v0;
	(erf) = vpow2.f32 v4;
	v4 =	vmul.f32 $1.442695020e+00, v11  }
0x132: {  	[tilespmem:$0x1FF30] =	vst v6;
	v43 =	vld [tilespmem:$0x1FDC0];
	v53 =	vmul.f32 $1.442695020e+00, v50;
	v6 =	vsel vm1, $0xFFFFFFFF, v60;
	v0 =	vsel vm1, v42, v0  }
0x133: {  	v46 =	vld [tilespmem:$0x1FDD0];
	vm8 =	vnez.u8 v55;
	v41 =	vsub.f32 v35, v27;
	v0 =	vsel vm5, v63, v0  }
0x134: {  	v19 =	vpop (erf);
	v60 =	vld [tilespmem:$0x1FE30];
	v3 =	vadd.f32 v3, v52;
	(erf) = vpow2.f32 v4;
	vm1 =	vgt.f32 v40, v0  }
0x135: {  	v63 =	vsub.f32 v29, v27;
	v18 =	vsub.f32 v51, v27;
	v0 =	vsel vm1, v40, v0  }
0x136: {  	v37 =	vld [tilespmem:$0x1FDB0];
	v3 =	vadd.f32 v3, v61;
	v5 =	vsel vm1, $0xFFFFFFFF, v12;
	v0 =	vsel vm10, v17, v0  }
0x137: {  	v42 =	vld [tilespmem:$0x1FF00];
	v11 =	vmul.f32 $1.442695020e+00, v63;
	v12 =	vsub.f32 v43, v27;
	vm1 =	vgt.f32 v58, v0  }
0x138: {  	[tilespmem:$0x1FF90] =	vst v5;
	v5 =	vmul.f32 $1.442695020e+00, v15;
	vm15 =	vnez.u8 v46;
	v0 =	vsel vm1, v58, v0  }
0x139: {  	v59 =	vld [tilespmem:$0x1FE20];
	v3 =	vadd.f32 v3, v19;
	vm7 =	vnez.u8 v60;
	v0 =	vsel vm11, v24, v0  }
0x13a: {  	v47 =	vld [tilespmem:$0x1FDE0];
	[tilespmem:$0x1FF70] =	vst v6;
	v21 =	vpop (erf);
	v17 =	vmul.f32 $1.442695020e+00, v12;
	v6 =	vsel vm1, $0xFFFFFFFF, v20;
	vm1 =	vgt.f32 v29, v0  }
0x13b: {  	(erf) = vpow2.f32 v5;
	v3 =	vadd.f32 v3, v21;
	v0 =	vsel vm1, v29, v0  }
0x13c: {  	v56 =	vld [tilespmem:$0x1FE10];
	vm2 =	vnez.u8 v42;
	v25 =	vpop (erf);
	(erf) = vpow2.f32 v26;
	v0 =	vsel vm14, v37, v0  }
0x13d: {  	[tilespmem:$0x1FF50] =	vst v9;
	v19 =	vld [tilespmem:$0x1FE70];
	v9 =	vsel vm1, $0xFFFFFFFF, v32;
	v3 =	vadd.f32 v3, v25;
	vm1 =	vgt.f32 v43, v0  }
0x13e: {  	v20 =	vsub.f32 v59, v27;
	v33 =	vpop (erf);
	(erf) = vpow2.f32 v34;
	v0 =	vsel vm1, v43, v0  }
0x13f: {  	[tilespmem:$0x1FFB0] =	vst v6;
	v6 =	vmul.f32 $1.442695020e+00, v54;
	v3 =	vadd.f32 v3, v33;
	v0 =	vsel vm15, v47, v0  }
0x140: {  	v61 =	vld [tilespmem:$0x1FE40];
	v26 =	vsub.f32 v7, v27;
	v38 =	vpop (erf);
	v5 =	vmul.f32 $1.442695020e+00, v20;
	vm9 =	vgt.f32 v51, v0  }
0x141: {  	v21 =	vld [tilespmem:$0x1FE80];
	(erf) = vpow2.f32 v39;
	v3 =	vadd.f32 v3, v38;
	v0 =	vsel vm9, v51, v0  }
0x142: {  	v28 =	vld [tilespmem:$0x1FEB0];
	v48 =	vpop (erf);
	(erf) = vpow2.f32 v45;
	v34 =	vsub.f32 v19, v27;
	v0 =	vsel vm8, v56, v0  }
0x143: {  	v15 =	vld [tilespmem:$0x1FE60];
	v4 =	vsel vm1, $0xFFFFFFFF, v44;
	v3 =	vadd.f32 v3, v48;
	vm10 =	vgt.f32 v59, v0  }
0x144: {  	v24 =	vld [tilespmem:$0x1FEA0];
	v33 =	vmul.f32 $1.442695020e+00, v26;
	[tilespmem:$0x1FFF0] =	vst v4;
	v4 =	vmul.f32 $1.442695020e+00, v57;
	v52 =	vpop (erf);
	v0 =	vsel vm10, v59, v0  }
0x145: {  	(erf) = vpow2.f32 v53;
	v3 =	vadd.f32 v3, v52;
	v0 =	vsel vm7, v61, v0  }
0x146: {  	v22 =	vld [tilespmem:$0x1FE90];
	vm5 =	vnez.u8 v21;
	v58 =	vpop (erf);
	(erf) = vpow2.f32 v6;
	vm11 =	vgt.f32 v7, v0  }
0x147: {  	v37 =	vld [tilespmem:$0x1FEE0];
	v62 =	vpop (erf);
	(erf) = vpow2.f32 v4;
	v3 =	vadd.f32 v3, v58;
	v0 =	vsel vm11, v7, v0  }
0x148: {  	v29 =	vld [tilespmem:$0x1FEC0];
	vm1 =	vnez.u8 v28;
	v44 =	vsub.f32 v30, v27;
	v0 =	vsel vm6, v15, v0  }
0x149: {  	v45 =	vld [tilespmem:$0x1FF10];
	v36 =	vsub.f32 v24, v27;
	v3 =	vadd.f32 v3, v62;
	vm12 =	vgt.f32 v19, v0  }
0x14a: {  	[tilespmem:$0x1FFD0] =	vst v9;
	v43 =	vmul.f32 $1.442695020e+00, v41;
	v47 =	vmul.f32 $1.442695020e+00, v44;
	v9 =	vpop (erf);
	v0 =	vsel vm12, v19, v0  }
0x14b: {  	v38 =	vld [tilespmem:$0x1FEF0];
	(erf) = vpow2.f32 v11;
	v3 =	vadd.f32 v3, v9;
	v0 =	vsel vm5, v22, v0  }
0x14c: {  	vm3 =	vnez.u8 v37;
	v48 =	vld [tilespmem:$0x1FF20];
	v4 =	vmul.f32 $1.442695020e+00, v18;
	v16 =	vpop (erf);
	vm4 =	vgt.f32 v24, v0  }
0x14d: {  	(erf) = vpow2.f32 v17;
	v3 =	vadd.f32 v3, v16;
	v0 =	vsel vm4, v24, v0  }
0x14e: {  	vm0 =	vnez.u8 v45;
	v23 =	vpop (erf);
	(erf) = vpow2.f32 v4;
	v0 =	vsel vm1, v29, v0  }
0x14f: {  	v51 =	vld [tilespmem:$0x1FF30];
	v25 =	vpop (erf);
	(erf) = vpow2.f32 v5;
	v3 =	vadd.f32 v3, v23;
	vm13 =	vgt.f32 v35, v0  }
0x150: {  	v1 =	vsel vm0, $0x31, v1;
	v32 =	vpop (erf);
	(erf) = vpow2.f32 v33;
	v0 =	vsel vm13, v35, v0  }
0x151: {  	v52 =	vld [tilespmem:$0x1FF40];
	vm0 =	vnez.u8 v48;
	v3 =	vadd.f32 v3, v25;
	v0 =	vsel vm3, v38, v0  }
0x152: {  	v6 =	vmul.f32 $1.442695020e+00, v34;
	v1 =	vsel vm0, v2, v1;
	vm14 =	vgt.f32 v30, v0  }
0x153: {  	v2 =	vsel vm0, $0x31, v2;
	v3 =	vadd.f32 v3, v32;
	v0 =	vsel vm14, v30, v0  }
0x154: {  	vm0 =	vnez.u8 v51;
	v4 =	vmul.f32 $1.442695020e+00, v36;
	v39 =	vpop (erf);
	v0 =	vsel vm2, v31, v0  }
0x155: {  	(erf) = vpow2.f32 v6;
	v3 =	vadd.f32 v3, v39;
	v0 =	vsub.f32 v0, v27  }
0x156: {  	v1 =	vsel vm0, $0x32, v1;
	vm0 =	vnez.u8 v52;
	v40 =	vpop (erf);
	(erf) = vpow2.f32 v4  }
0x157: {  	v46 =	vpop (erf);
	(erf) = vpow2.f32 v43;
	v3 =	vadd.f32 v3, v40;
	v0 =	vmul.f32 $1.442695020e+00, v0  }
0x158: {  	v1 =	vsel vm0, v2, v1;
	v50 =	vpop (erf);
	(erf) = vpow2.f32 v47  }
0x159: {  	v53 =	vpop (erf);
	v3 =	vadd.f32 v3, v46;
	(erf) = vpow2.f32 v0;
	v0 =	vsel vm0, $0x32, v2;
	v2 =	vld [tilespmem:$0x1FF50];
	_ =	sdelay $0x1  }
0x15a: {  	v3 =	vadd.f32 v3, v50;
	_ =	sdelay $0x1  }
0x15b: {  	v54 =	vld [tilespmem:$0x1FF60]  }
0x15c: {  	vm0 =	vnez.u8 v2;
	v2 =	vadd.f32 v3, v53  }
0x15d: {  	v55 =	vld [tilespmem:$0x1FF70];
	v3 =	vpop (erf)  }
0x15e: {  	v56 =	vld [tilespmem:$0x1FF80];
	v2 =	vadd.f32 v2, v3  }
0x15f: {  	v57 =	vld [tilespmem:$0x1FF90];
	v3 =	vpop (erf)  }
0x160: {  	v58 =	vld [tilespmem:$0x1FFA0];
	v1 =	vsel vm0, $0x33, v1;
	vm0 =	vnez.u8 v54;
	v2 =	vadd.f32 v2, v3  }
0x161: {  	v59 =	vld [tilespmem:$0x1FFB0];
	v1 =	vsel vm0, v0, v1;
	v3 =	vpop (erf)  }
0x162: {  	v0 =	vsel vm0, $0x33, v0;
	vm0 =	vnez.u8 v55;
	v2 =	vadd.f32 v2, v3;
	v3 =	vld [tilespmem:$0x1FFC0]  }
0x163: {  	v1 =	vsel vm0, $0x34, v1;
	vm0 =	vnez.u8 v56  }
0x164: {  	v60 =	vld [tilespmem:$0x1FFD0];
	v1 =	vsel vm0, v0, v1;
	v0 =	vsel vm0, $0x34, v0;
	vm0 =	vnez.u8 v57  }
0x165: {  	v61 =	vld [tilespmem:$0x1FFE0];
	v1 =	vsel vm0, $0x35, v1;
	vm0 =	vnez.u8 v58  }
0x166: {  	v63 =	vld [tilespmem:$0x1FFF0];
	v1 =	vsel vm0, v0, v1;
	v0 =	vsel vm0, $0x35, v0;
	vm0 =	vnez.u8 v59  }
0x167: {  	v1 =	vsel vm0, $0x36, v1;
	vm0 =	vnez.u8 v3  }
0x168: {  	v3 =	vpop (erf);
	v1 =	vsel vm0, v0, v1  }
0x169: {  	v0 =	vsel vm0, $0x36, v0;
	vm0 =	vnez.u8 v60;
	v2 =	vadd.f32 v2, v3;
	v3 =	vpop (erf)  }
0x16a: {  	v1 =	vsel vm0, $0x37, v1;
	vm0 =	vnez.u8 v61;
	v62 =	vadd.f32 $1.000000000e+00, v3  }
0x16b: {  	v1 =	vsel vm0, v0, v1;
	v0 =	vsel vm0, $0x37, v0;
	vm0 =	vnez.u8 v63  }
0x16c: {  	(erf) = vrcp.f32 v2;
	v1 =	vsel vm0, $0x38, v1  }
0x16d: {  	(erf) = vrcp.f32 v62;
	v1 =	vsel vm15, v0, v1  }
0x16e: {  	v0 =	vsel vm15, $0x38, v0;
	v1 =	vsel vm9, $0x39, v1  }
0x16f: {  	v1 =	vsel vm8, v0, v1  }
0x170: {  	v0 =	vsel vm8, $0x39, v0;
	v1 =	vsel vm10, $0x3A, v1  }
0x171: {  	v1 =	vsel vm7, v0, v1  }
0x172: {  	v0 =	vsel vm7, $0x3A, v0;
	v1 =	vsel vm11, $0x3B, v1  }
0x173: {  	v1 =	vsel vm6, v0, v1  }
0x174: {  	v0 =	vsel vm6, $0x3B, v0;
	v1 =	vsel vm12, $0x3C, v1  }
0x175: {  	v2 =	vpop (erf);
	v1 =	vsel vm5, v0, v1  }
0x176: {  	s31 =	sshll.u32 s17, $0x5;
	v0 =	vsel vm5, $0x3C, v0;
	v4 =	vpop (erf);
	v1 =	vsel vm4, $0x3D, v1  }
0x177: {  	s19 =	sand.u32 $0xFFFFFF00, s31;
	vm15 =	vlt.f32 v2, $1.000000010e-01;
	v2 =	vmul.f32 v4, v3;
	v1 =	vsel vm1, v0, v1  }
0x178: {  	p0 =	sne.s32 s17, $0x3F;
	s18 =	sor.u32 s18, s19;
	v3 =	vsel vm15, $0x0, v4;
	v0 =	vsel vm1, $0x3D, v0;
	v1 =	vsel vm13, $0x3E, v1  }
.Ltmp0:
0x179: {  	[tilespmem:s18+$0x10000] =	vst v3;
	v2 =	vsel vm15, $0x0, v2;
	v1 =	vsel vm3, v0, v1;
	v0 =	vsel vm3, $0x3E, v0;
	(pc) =	sbr.rel @p0 .LBB2_2-.Ltmp0, $4  }
0x17a: {  	[tilespmem:s18+$0x10080] =	vst v2;
	v1 =	vsel vm14, $0x3F, v1;
	v2 =	vsel vm2, $0x3F, v0  }
0x17b: {  	v0 =	vsel vm2, v0, v1;
	v1 =	vimm.f32 $0.0e+00;
	[tilespmem:s18+$0x10800] =	vst v2  }
0x17c: {  	[tilespmem:s18+$0x10880] =	vst v0;
	v0 =	vsel vm15, $0x3F800000, v1  }
0x17d: {  	s15 =	sadd.s32 $0x10, s15;
	s17 =	sadd.s32 $0x1, s17;
	v49 =	vimm.s32 $0x0;
	[tilespmem:s16+$0x0] =	vst v0;
	v0 =	vimm.s32 $0x40;
	s16 =	sadd.s32 $0x10, s16  }
0x17e: {  	[hbm4b:s4+s2] =	stream.linear.scatter [tilespmem:s11], [sflag:$0x1], $0x800, $0x38;
	[tilespmem:$0x11400] =	vst v63  }
0x17f: {  	_ =	swait.ge [sflag:s10], $0x800  }
0x180: {  	[sflag:s10] =	ssyncset.done $0x0  }
0x181: {  	[sflag:s10] =	ssyncadd.s32 $0xFFFFF800  }
0x182: {  	[hbm4b:s5+s2] =	stream.linear.scatter [tilespmem:s12], [sflag:$0x1], $0x800, $0x38;
	[tilespmem:$0x11400] =	vst v63  }
0x183: {  	s14 =	sadd.s32 $0x1, s14;
	_ =	swait.ge [sflag:s10], $0x800  }
0x184: {  	p0 =	sne.s32 s14, s7;
	[sflag:s10] =	ssyncset.done $0x0  }
.Ltmp1:
0x185: {  	[sflag:s10] =	ssyncadd.s32 $0xFFFFF800;
	(pc) =	sbr.rel @p0 .LBB2_1-.Ltmp1, $4  }
0x186: {  	[hbm4b:s6+s2] =	stream.linear.scatter [tilespmem:s13], [sflag:$0x1], $0x400, $0x38;
	[tilespmem:$0x11400] =	vst v63  }
0x187: {  	_ =	swait.ge [sflag:s10], $0x400  }
0x188: {  	[sflag:s10] =	ssyncset.done $0x0  }
0x189: {  	[sflag:s10] =	ssyncadd.s32 $0xFFFFFC00  }
0x18a: {  	_ =	sfence.sel $0x180000  }
0x18b: {  	[bflag:$0x0] =	sbarrier.arrive $0xFFFF  }
0x18c: {  	p0 =	sne.s32 s1, $0x0;
	_ =	strace $0x90000047  }
0x18d: {  	s0 =	sadd.s32 @!p0 $0x100000, s0;
	[bflag:$0x2] =	sbarrier.arrive $0xFFFF  }
0x18e: {  	[sflag:s0] =	ssyncadd.tile.s32 @!p0 $0x1;
	_ =	shalt  }
.Lfunc_end2:
_tile_overlayer_lowered:
.L_overlay_start_2:
0x18f: {  	(tag) =	ssettag $0x2  }
0x190: {  	s0 =	rddreg [dreg:$0x0];
	s2 =	stileid.u32  }
0x191: {  	s1 =	rddreg [dreg:$0x1];
	p0 =	sne.s32 s2, $0x0  }
0x192: {  	s3 =	rddreg [dreg:$0x2];
	[bflag:$0x3] =	sbarrier.arrive $0xFFFF;
	s2 =	simm.s32 @!p0 $0x1C01  }
0x193: {  	[timem:s3], [sflag:s2] =	dma.local @!p0 [hbm:s0], s1  }
0x194: {  	s0 =	simm.s32 @!p0 $0x1  }
0x195: {  	_ =	swait.ge @!p0 [sflag:s0], s1  }
0x196: {  	s1 =	ssub.s32 @!p0 $0x0, s1;
	[sflag:s0] =	ssyncset.done @!p0 $0x0  }
0x197: {  	[sflag:s0] =	ssyncadd.s32 @!p0 s1  }
0x198: {  	[bflag:$0x3] =	sbarrier.arrive $0xFFFF  }
0x199: {  	_ =	shalt  }

</sc_bundles>
